<compile_context>
chip_gen: v7x
topology: tpu7x:2x2x1
jax: 0.10.2.dev20260603
libtpu: 0.0.44.dev20260713+nightly
codegen_flags: <defaults>
</compile_context>

<pallas_src>
import functools
import math

import jax
import jax.numpy as jnp
from jax import lax
from jax.experimental import pallas as pl
from jax.experimental.pallas import tpu as pltpu
from jax.experimental.pallas import tpu_sc as plsc

_NCORES = 2
_NSUB = 16
_NTILES = _NCORES * _NSUB
_CHUNK = 128
_BR = 512
_NG = 128


def _sc_mesh():
    return plsc.VectorSubcoreMesh(
        core_axis_name="c", subcore_axis_name="s",
        num_cores=_NCORES, num_subcores=_NSUB)


def _sc_degree(dst_t, ones_w, zeros_f, rpad, width):
    nch = dst_t.shape[1]
    rpt = rpad // _NSUB

    @functools.partial(
        pl.kernel,
        out_type=jax.ShapeDtypeStruct((_NCORES, rpad, width), jnp.float32),
        mesh=_sc_mesh(),
        scratch_types=[
            pltpu.VMEM((nch, _CHUNK), jnp.int32),
            pltpu.VMEM((_CHUNK, width), jnp.float32),
            pltpu.VMEM_SHARED((rpad, width), jnp.float32),
            pltpu.SemaphoreType.DMA,
        ],
    )
    def k(dst_hbm, ones_hbm, z_hbm, out_hbm, idx_v, ones_v, deg_sh, sem):
        core = lax.axis_index("c")
        sid = lax.axis_index("s")
        gid = core * _NSUB + sid
        r0 = sid * rpt
        pltpu.sync_copy(dst_hbm.at[gid], idx_v)
        pltpu.sync_copy(ones_hbm, ones_v)
        pltpu.sync_copy(z_hbm.at[pl.ds(r0, rpt)], deg_sh.at[pl.ds(r0, rpt)])
        plsc.subcore_barrier()

        @pl.loop(0, nch, step=8)
        def _(c):
            for j in range(8):
                pltpu.async_copy(ones_v, deg_sh.at[idx_v.at[c + j]], sem,
                                 add=True)
            for j in range(8):
                pltpu.make_async_copy(
                    ones_v, deg_sh.at[idx_v.at[c + j]], sem).wait()

        plsc.subcore_barrier()
        pltpu.sync_copy(deg_sh.at[pl.ds(r0, rpt)],
                        out_hbm.at[core, pl.ds(r0, rpt)])

    return k(dst_t, ones_w, zeros_f)


_EC = 32
_NBUF = 8
_GA = _NBUF - 2
_GC = 40
_GRP0_NUM, _GRP0_DEN = 3, 4


def _sc_edge_pass(hs, src_t, dst_t, zeros_f, rpad):
    ngrp_tot = src_t.shape[0]
    ngrp0 = ngrp_tot * _GRP0_NUM // _GRP0_DEN
    rpt = rpad // _NSUB
    feat = hs.shape[1]

    @functools.partial(
        pl.kernel,
        out_type=jax.ShapeDtypeStruct((_NCORES, rpad, feat), jnp.float32),
        mesh=_sc_mesh(),
        scratch_types=[
            pltpu.VMEM((_GC, _EC), jnp.int32),
            pltpu.VMEM((_GC, _EC), jnp.int32),
        ] + [pltpu.VMEM((_EC, feat), jnp.float32)] * _NBUF + [
            pltpu.VMEM_SHARED((rpad, feat), jnp.float32),
        ] + [pltpu.SemaphoreType.DMA] * (2 * _NBUF),
    )
    def k(hs_hbm, src_hbm, dst_hbm, z_hbm, out_hbm,
          sidx, didx, *rest):
        bufs = rest[:_NBUF]
        acc_sh = rest[_NBUF]
        gsem = rest[_NBUF + 1:2 * _NBUF + 1]
        ssem = rest[2 * _NBUF + 1:]
        core = lax.axis_index("c")
        sid = lax.axis_index("s")
        my_base = core * ngrp0
        my_ngrp = jnp.where(core == 0, ngrp0, ngrp_tot - ngrp0)
        r0 = sid * rpt
        pltpu.sync_copy(z_hbm.at[pl.ds(r0, rpt)], acc_sh.at[pl.ds(r0, rpt)])
        plsc.subcore_barrier()

        def gather(c, j):
            pltpu.async_copy(hs_hbm.at[sidx.at[c]], bufs[j], gsem[j])

        def gwait(c, j):
            pltpu.make_async_copy(
                hs_hbm.at[sidx.at[c]], bufs[j], gsem[j]).wait()

        def scat(c, j):
            pltpu.async_copy(bufs[j], acc_sh.at[didx.at[c]], ssem[j],
                             add=True)

        def swait(c, j):
            pltpu.make_async_copy(
                bufs[j], acc_sh.at[didx.at[c]], ssem[j]).wait()

        @pl.loop(0, ngrp0)
        def _(g):
          @pl.when(g < my_ngrp)
          def _():
            gg = my_base + g
            pltpu.sync_copy(src_hbm.at[gg, sid], sidx)
            pltpu.sync_copy(dst_hbm.at[gg, sid], didx)

            for c in range(_GA):
                gather(c, c)
            for c in (0, 1):
                gwait(c, c)
                scat(c, c)
                gather(c + _GA, (c + _GA) % _NBUF)

            @pl.loop(2, _GC - _GA, step=_NBUF)
            def _(cc):
                for j in range(_NBUF):
                    c = cc + j
                    sl = (2 + j) % _NBUF
                    s2 = (sl + _GA) % _NBUF
                    gwait(c, sl)
                    scat(c, sl)
                    swait(c - 2, s2)
                    gather(c + _GA, s2)

            for i, c in enumerate(range(_GC - _GA, _GC)):
                sl = (_GC - _GA + i) % _NBUF
                gwait(c, sl)
                scat(c, sl)
                swait(c - 2, (c - 2) % _NBUF)
            for c in (_GC - 2, _GC - 1):
                swait(c, c % _NBUF)

        plsc.subcore_barrier()
        pltpu.sync_copy(acc_sh.at[pl.ds(r0, rpt)],
                        out_hbm.at[core, pl.ds(r0, rpt)])

    return k(hs, src_t, dst_t, zeros_f)


def _tc_matmul(xp, W1):
    rpad, fin = xp.shape
    hid = W1.shape[1]
    nblk = rpad // _BR

    def body(x_ref, w_ref, o_ref):
        o_ref[...] = jnp.dot(x_ref[...], w_ref[...],
                             preferred_element_type=jnp.float32)

    return pl.pallas_call(
        body,
        grid=(nblk,),
        in_specs=[pl.BlockSpec((_BR, fin), lambda i: (i, 0)),
                  pl.BlockSpec((fin, hid), lambda i: (0, 0))],
        out_specs=pl.BlockSpec((_BR, hid), lambda i: (i, 0)),
        out_shape=jax.ShapeDtypeStruct((rpad, hid), jnp.float32),
    )(xp, W1)


def _tc_scale(h, degp):
    rpad, hid = h.shape
    nblk = rpad // _BR

    def body(h_ref, d_ref, o_ref):
        deg = 1.0 + d_ref[0, :, 0:1] + d_ref[1, :, 0:1]
        o_ref[...] = h_ref[...] * lax.rsqrt(deg)

    return pl.pallas_call(
        body,
        grid=(nblk,),
        in_specs=[pl.BlockSpec((_BR, hid), lambda i: (i, 0)),
                  pl.BlockSpec((2, _BR, hid), lambda i: (0, i, 0))],
        out_specs=pl.BlockSpec((_BR, hid), lambda i: (i, 0)),
        out_shape=jax.ShapeDtypeStruct((rpad, hid), jnp.float32),
    )(h, degp)


def _tc_finale(accp, hs, degp, b1r, batchv, batchs, W2p, b2r, nout):
    rpad, hid = hs.shape
    nblk = rpad // _BR

    def body(a_ref, hs_ref, d_ref, b1_ref, bv_ref, bs_ref, w2_ref, b2_ref,
             o_ref, pooled):
        i = pl.program_id(0)

        @pl.when(i == 0)
        def _():
            pooled[...] = jnp.full((_NG, hid), -jnp.inf, jnp.float32)

        deg = 1.0 + d_ref[0, :, 0:1] + d_ref[1, :, 0:1]
        h2 = a_ref[0] + a_ref[1] + hs_ref[...]
        h2 = jnp.maximum(h2 * lax.rsqrt(deg) + b1_ref[0:1, :], 0.0)
        bv = bv_ref[...]
        lo = bs_ref[0, 0, 0]
        hi = jnp.minimum(bs_ref[0, 0, _BR - 1], _NG - 1)

        def seg(g, carry):
            vals = jnp.where(bv == g, h2, -jnp.inf)
            m = jnp.max(vals, axis=0, keepdims=True)
            cur = pooled[pl.ds(g, 1), :]
            pooled[pl.ds(g, 1), :] = jnp.maximum(cur, m)
            return carry

        lax.fori_loop(lo, hi + 1, seg, 0)

        @pl.when(i == nblk - 1)
        def _():
            p = pooled[...]
            p = jnp.where(jnp.isfinite(p), p, 0.0)
            logits = jnp.dot(p, w2_ref[...],
                             preferred_element_type=jnp.float32) + b2_ref[0:1, :]
            lane = lax.broadcasted_iota(jnp.int32, (_NG, hid), 1)
            ok = lane < nout
            neg = jnp.where(ok, logits, -jnp.inf)
            mx = jnp.max(neg, axis=1, keepdims=True)
            ex = jnp.where(ok, jnp.exp(logits - mx), 0.0)
            lse = jnp.log(jnp.sum(ex, axis=1, keepdims=True)) + mx
            o_ref[...] = logits - lse

    return pl.pallas_call(
        body,
        grid=(nblk,),
        in_specs=[
            pl.BlockSpec((2, _BR, hid), lambda i: (0, i, 0)),
            pl.BlockSpec((_BR, hid), lambda i: (i, 0)),
            pl.BlockSpec((2, _BR, hid), lambda i: (0, i, 0)),
            pl.BlockSpec((1, hid), lambda i: (0, 0)),
            pl.BlockSpec((_BR, 1), lambda i: (i, 0)),
            pl.BlockSpec((1, 1, _BR), lambda i: (i, 0, 0),
                         memory_space=pltpu.SMEM),
            pl.BlockSpec((hid, hid), lambda i: (0, 0)),
            pl.BlockSpec((1, hid), lambda i: (0, 0)),
        ],
        out_specs=pl.BlockSpec((_NG, hid), lambda i: (0, 0)),
        out_shape=jax.ShapeDtypeStruct((_NG, hid), jnp.float32),
        scratch_shapes=[pltpu.VMEM((_NG, hid), jnp.float32)],
    )(accp, hs, degp, b1r, batchv, batchs, W2p, b2r)


def kernel(x, edge_index, batch, W1, b1, W2, b2):
    n, fin = x.shape
    hid = W1.shape[1]
    nout = W2.shape[1]
    e = edge_index.shape[1]

    rpad = -(-(n + 1) // _BR) * _BR
    epg = _NSUB * _EC * _GC
    eboth = math.lcm(epg, _NTILES * _CHUNK * 8)
    ep = -(-e // eboth) * eboth
    ngrp = ep // epg

    pad = jnp.full((ep - e,), n, dtype=jnp.int32)
    srcp = jnp.concatenate([edge_index[0], pad])
    dstp = jnp.concatenate([edge_index[1], pad])
    src_t = srcp.reshape(ngrp, _NSUB, _GC, _EC)
    dst_t = dstp.reshape(ngrp, _NSUB, _GC, _EC)
    dst_deg = dstp.reshape(_NTILES, ep // (_NTILES * _CHUNK), _CHUNK)

    ones_w = jnp.ones((_CHUNK, hid), jnp.float32)
    zeros_f = jnp.zeros((rpad, hid), jnp.float32)
    xp = jnp.zeros((rpad, fin), x.dtype).at[:n].set(x)

    degp = _sc_degree(dst_deg, ones_w, zeros_f, rpad, hid)
    h = _tc_matmul(xp, W1)
    hs = _tc_scale(h, degp)
    accp = _sc_edge_pass(hs, src_t, dst_t, zeros_f, rpad)

    batchp = jnp.concatenate(
        [batch.astype(jnp.int32), jnp.full((rpad - n,), _NG, jnp.int32)])
    batchv = batchp.reshape(rpad, 1)
    batchs = batchp.reshape(rpad // _BR, 1, _BR)
    W2p = jnp.pad(W2, ((0, 0), (0, hid - nout)))
    b2r = jnp.pad(b2, (0, hid - nout)).reshape(1, hid)
    b1r = b1.reshape(1, hid)

    out = _tc_finale(accp, hs, degp, b1r, batchv, batchs, W2p, b2r, nout)
    return out[:, :nout]

# --- scband reference (transcript-rebuilt; emitter-appended) ---
"""Pipeline reference for scband-gnnmodel-87703232184477 (READ-ONLY COPY).

The authoritative reference and input builder live on the scoring server;
editing this copy changes nothing except your own understanding.
"""

import jax, jax.numpy as jnp
import numpy as np

N = 10000
E = 320000
F_IN = 128
HID = 128
OUT = 10
NG = 128

def setup_inputs(seed: int = 0) -> dict:
    key = jax.random.key(seed)
    k1, k2, k3, k4, k5 = jax.random.split(key, 5)
    x = jax.random.normal(k1, (N, F_IN), dtype=jnp.float32)
    edge_index = jax.random.randint(k2, (2, E), 0, N, dtype=jnp.int32)
    batch = jnp.sort(jax.random.randint(k3, (N,), 0, NG, dtype=jnp.int32))
    W1 = jax.random.normal(k4, (F_IN, HID), dtype=jnp.float32) * 0.05
    b1 = jnp.zeros((HID,), dtype=jnp.float32)
    W2 = jax.random.normal(k5, (HID, OUT), dtype=jnp.float32) * 0.05
    b2 = jnp.zeros((OUT,), dtype=jnp.float32)
    return {"x": x, "edge_index": edge_index, "batch": batch, "W1": W1, "b1": b1, "W2": W2, "b2": b2}

def reference(x, edge_index, batch, W1, b1, W2, b2):
    n = x.shape[0]
    loop = jnp.arange(n, dtype=edge_index.dtype)
    src = jnp.concatenate([edge_index[0], loop])
    dst = jnp.concatenate([edge_index[1], loop])
    # GCN symmetric normalization with self-loops (PyG GCNConv default)
    deg = jnp.zeros((n,), x.dtype).at[dst].add(1.0)
    dinv = jnp.where(deg > 0, jax.lax.rsqrt(deg), 0.0)
    norm = dinv[src] * dinv[dst]
    h = x @ W1
    msg = h[src] * norm[:, None]
    h = jnp.zeros((n, W1.shape[1]), x.dtype).at[dst].add(msg) + b1
    h = jax.nn.relu(h)
    # global max pool per graph id
    pooled = jax.ops.segment_max(h, batch, num_segments=NG)
    pooled = jnp.where(jnp.isfinite(pooled), pooled, 0.0)
    logits = pooled @ W2 + b2
    return jax.nn.log_softmax(logits, axis=-1)

if __name__ == "__main__":
    import jax
    _d = setup_inputs()
    print(jax.jit(kernel)(*tuple(_d.values())))

</pallas_src>

<mosaic_0001>
#map = affine_map<(d0, d1) -> (0, 0, 0)>
#map1 = affine_map<(d0, d1) -> (0, 0)>
module attributes {stable_mosaic.version = 14 : i64} {
  func.func @k(%arg0: i32, %arg1: i32, %arg2: memref<32x80x128xi32, #tpu.memory_space<hbm>>, %arg3: memref<128x128xf32, #tpu.memory_space<hbm>>, %arg4: memref<10240x128xf32, #tpu.memory_space<hbm>>, %arg5: memref<2x10240x128xf32, #tpu.memory_space<hbm>>, %arg6: memref<80x128xi32, #tpu.memory_space<vmem>>, %arg7: memref<128x128xf32, #tpu.memory_space<vmem>>, %arg8: memref<10240x128xf32, #tpu.memory_space<vmem_shared>>, %arg9: memref<!tpu.dma_semaphore, #tpu.memory_space<semaphore_mem>>) attributes {dimension_semantics = [#tpu.dimension_semantics<core_parallel>, #tpu.dimension_semantics<subcore_parallel>], iteration_bounds = array<i64: 2, 16>, scalar_prefetch = 0 : i64, scratch_operands = 4 : i64, tpu.core_type = #tpu.core_type<sc_vector_subcore>, window_params = [{transform_indices = #map}, {transform_indices = #map1}, {transform_indices = #map1}, {transform_indices = #map}]} {
    %mul3A = arith.constant 16 : i32
    %mul3A_0 = arith.muli %arg0, %mul3A : i32
    %add3A = arith.addi %mul3A_0, %arg1 : i32
    %mul3A_1 = arith.constant 640 : i32
    %mul3A_2 = arith.muli %arg1, %mul3A_1 : i32
    "tpu.region"() ({
      %run_scoped3A = tpu.sem_alloc : memref<!tpu.dma_semaphore, #tpu.memory_space<semaphore_mem>>
      %dma_start3A = arith.constant 0 : i32
      %dma_start3A_8 = arith.constant 0 : i32
      %dma_start3A_9 = tpu.memref_slice %arg2[%add3A, %dma_start3A, %dma_start3A_8] : memref<32x80x128xi32, #tpu.memory_space<hbm>> -> memref<1x80x128xi32, #tpu.memory_space<hbm>>
      %dma_start3A_10 = tpu.memref_squeeze %dma_start3A_9 : memref<1x80x128xi32, #tpu.memory_space<hbm>> -> memref<80x128xi32, #tpu.memory_space<hbm>>
      %dma_start3A_11 = arith.constant 0 : i32
      %dma_start3A_12 = arith.constant 0 : i32
      %dma_start3A_13 = tpu.memref_slice %arg2[%add3A, %dma_start3A_11, %dma_start3A_12] : memref<32x80x128xi32, #tpu.memory_space<hbm>> -> memref<1x80x128xi32, #tpu.memory_space<hbm>>
      %dma_start3A_14 = tpu.memref_squeeze %dma_start3A_13 : memref<1x80x128xi32, #tpu.memory_space<hbm>> -> memref<80x128xi32, #tpu.memory_space<hbm>>
      tpu.enqueue_dma source(%dma_start3A_14 : memref<80x128xi32, #tpu.memory_space<hbm>>) target(%arg6 : memref<80x128xi32, #tpu.memory_space<vmem>>) target_semaphore(%run_scoped3A : memref<!tpu.dma_semaphore, #tpu.memory_space<semaphore_mem>>)
      %dma_wait3A = arith.constant 0 : i32
      %dma_wait3A_15 = arith.constant 0 : i32
      %dma_wait3A_16 = tpu.memref_slice %arg2[%add3A, %dma_wait3A, %dma_wait3A_15] : memref<32x80x128xi32, #tpu.memory_space<hbm>> -> memref<1x80x128xi32, #tpu.memory_space<hbm>>
      %dma_wait3A_17 = tpu.memref_squeeze %dma_wait3A_16 : memref<1x80x128xi32, #tpu.memory_space<hbm>> -> memref<80x128xi32, #tpu.memory_space<hbm>>
      %dma_wait3A_18 = arith.constant 0 : i32
      %dma_wait3A_19 = arith.constant 0 : i32
      %dma_wait3A_20 = tpu.memref_slice %arg2[%add3A, %dma_wait3A_18, %dma_wait3A_19] : memref<32x80x128xi32, #tpu.memory_space<hbm>> -> memref<1x80x128xi32, #tpu.memory_space<hbm>>
      %dma_wait3A_21 = tpu.memref_squeeze %dma_wait3A_20 : memref<1x80x128xi32, #tpu.memory_space<hbm>> -> memref<80x128xi32, #tpu.memory_space<hbm>>
      tpu.wait_dma2 semaphore(%run_scoped3A : memref<!tpu.dma_semaphore, #tpu.memory_space<semaphore_mem>>) src(%dma_wait3A_21 : memref<80x128xi32, #tpu.memory_space<hbm>>) dst(%arg6 : memref<80x128xi32, #tpu.memory_space<vmem>>)
      tpu.yield
    }) : () -> ()
    "tpu.region"() ({
      %run_scoped3A = tpu.sem_alloc : memref<!tpu.dma_semaphore, #tpu.memory_space<semaphore_mem>>
      tpu.enqueue_dma source(%arg3 : memref<128x128xf32, #tpu.memory_space<hbm>>) target(%arg7 : memref<128x128xf32, #tpu.memory_space<vmem>>) target_semaphore(%run_scoped3A : memref<!tpu.dma_semaphore, #tpu.memory_space<semaphore_mem>>)
      tpu.wait_dma2 semaphore(%run_scoped3A : memref<!tpu.dma_semaphore, #tpu.memory_space<semaphore_mem>>) src(%arg3 : memref<128x128xf32, #tpu.memory_space<hbm>>) dst(%arg7 : memref<128x128xf32, #tpu.memory_space<vmem>>)
      tpu.yield
    }) : () -> ()
    "tpu.region"() ({
      %run_scoped3A = tpu.sem_alloc : memref<!tpu.dma_semaphore, #tpu.memory_space<semaphore_mem>>
      %dma_start3A = arith.constant 0 : i32
      %dma_start3A_8 = tpu.memref_slice %arg8[%mul3A_2, %dma_start3A] : memref<10240x128xf32, #tpu.memory_space<vmem_shared>> -> memref<640x128xf32, #tpu.memory_space<vmem_shared>>
      %dma_start3A_9 = arith.constant 0 : i32
      %dma_start3A_10 = tpu.memref_slice %arg4[%mul3A_2, %dma_start3A_9] : memref<10240x128xf32, #tpu.memory_space<hbm>> -> memref<640x128xf32, #tpu.memory_space<hbm>>
      tpu.enqueue_dma source(%dma_start3A_10 : memref<640x128xf32, #tpu.memory_space<hbm>>) target(%dma_start3A_8 : memref<640x128xf32, #tpu.memory_space<vmem_shared>>) target_semaphore(%run_scoped3A : memref<!tpu.dma_semaphore, #tpu.memory_space<semaphore_mem>>)
      %dma_wait3A = arith.constant 0 : i32
      %dma_wait3A_11 = tpu.memref_slice %arg8[%mul3A_2, %dma_wait3A] : memref<10240x128xf32, #tpu.memory_space<vmem_shared>> -> memref<640x128xf32, #tpu.memory_space<vmem_shared>>
      %dma_wait3A_12 = arith.constant 0 : i32
      %dma_wait3A_13 = tpu.memref_slice %arg4[%mul3A_2, %dma_wait3A_12] : memref<10240x128xf32, #tpu.memory_space<hbm>> -> memref<640x128xf32, #tpu.memory_space<hbm>>
      tpu.wait_dma2 semaphore(%run_scoped3A : memref<!tpu.dma_semaphore, #tpu.memory_space<semaphore_mem>>) src(%dma_wait3A_13 : memref<640x128xf32, #tpu.memory_space<hbm>>) dst(%dma_wait3A_11 : memref<640x128xf32, #tpu.memory_space<vmem_shared>>)
      tpu.yield
    }) : () -> ()
    %barrier3A = arith.constant 0 : index
    tpu.barrier barrier_id(%barrier3A)
    %scan3A = arith.constant 0 : i32
    %scan3A_3 = arith.constant 10 : i32
    %scan3A_4 = arith.addi %scan3A, %scan3A_3 : i32
    %scan3A_5 = arith.constant 1 : i32
    scf.for %scan3A_8 = %scan3A to %scan3A_4 step %scan3A_5  : i32 {
      %mul3A_9 = arith.constant 8 : i32
      %mul3A_10 = arith.muli %scan3A_8, %mul3A_9 : i32
      %add3A_11 = arith.constant 0 : i32
      %add3A_12 = arith.addi %add3A_11, %mul3A_10 : i32
      %add3A_13 = arith.constant 0 : i32
      %add3A_14 = arith.addi %add3A_12, %add3A_13 : i32
      %dma_start3A = arith.constant 0 : i32
      %dma_start3A_15 = tpu.memref_slice %arg6[%add3A_14, %dma_start3A] : memref<80x128xi32, #tpu.memory_space<vmem>> -> memref<1x128xi32, #tpu.memory_space<vmem>>
      %dma_start3A_16 = tpu.memref_squeeze %dma_start3A_15 : memref<1x128xi32, #tpu.memory_space<vmem>> -> memref<128xi32, #tpu.memory_space<vmem>>
      %dma_start3A_17 = arith.constant 0 : i32
      %dma_start3A_18 = arith.constant 0 : i32
      %dma_start3A_19 = tpu.memref_slice %arg8[%dma_start3A_17, %dma_start3A_18] : memref<10240x128xf32, #tpu.memory_space<vmem_shared>> -> memref<10240x128xf32, #tpu.memory_space<vmem_shared>>
      tpu.enqueue_indirect_dma source(%arg7 : memref<128x128xf32, #tpu.memory_space<vmem>>) target(%dma_start3A_19 : memref<10240x128xf32, #tpu.memory_space<vmem_shared>>) offsets(%dma_start3A_16 : memref<128xi32, #tpu.memory_space<vmem>>) semaphore(%arg9 : memref<!tpu.dma_semaphore, #tpu.memory_space<semaphore_mem>>) {add = true}
      %add3A_20 = arith.constant 1 : i32
      %add3A_21 = arith.addi %add3A_12, %add3A_20 : i32
      %dma_start3A_22 = arith.constant 0 : i32
      %dma_start3A_23 = tpu.memref_slice %arg6[%add3A_21, %dma_start3A_22] : memref<80x128xi32, #tpu.memory_space<vmem>> -> memref<1x128xi32, #tpu.memory_space<vmem>>
      %dma_start3A_24 = tpu.memref_squeeze %dma_start3A_23 : memref<1x128xi32, #tpu.memory_space<vmem>> -> memref<128xi32, #tpu.memory_space<vmem>>
      %dma_start3A_25 = arith.constant 0 : i32
      %dma_start3A_26 = arith.constant 0 : i32
      %dma_start3A_27 = tpu.memref_slice %arg8[%dma_start3A_25, %dma_start3A_26] : memref<10240x128xf32, #tpu.memory_space<vmem_shared>> -> memref<10240x128xf32, #tpu.memory_space<vmem_shared>>
      tpu.enqueue_indirect_dma source(%arg7 : memref<128x128xf32, #tpu.memory_space<vmem>>) target(%dma_start3A_27 : memref<10240x128xf32, #tpu.memory_space<vmem_shared>>) offsets(%dma_start3A_24 : memref<128xi32, #tpu.memory_space<vmem>>) semaphore(%arg9 : memref<!tpu.dma_semaphore, #tpu.memory_space<semaphore_mem>>) {add = true}
      %add3A_28 = arith.constant 2 : i32
      %add3A_29 = arith.addi %add3A_12, %add3A_28 : i32
      %dma_start3A_30 = arith.constant 0 : i32
      %dma_start3A_31 = tpu.memref_slice %arg6[%add3A_29, %dma_start3A_30] : memref<80x128xi32, #tpu.memory_space<vmem>> -> memref<1x128xi32, #tpu.memory_space<vmem>>
      %dma_start3A_32 = tpu.memref_squeeze %dma_start3A_31 : memref<1x128xi32, #tpu.memory_space<vmem>> -> memref<128xi32, #tpu.memory_space<vmem>>
      %dma_start3A_33 = arith.constant 0 : i32
      %dma_start3A_34 = arith.constant 0 : i32
      %dma_start3A_35 = tpu.memref_slice %arg8[%dma_start3A_33, %dma_start3A_34] : memref<10240x128xf32, #tpu.memory_space<vmem_shared>> -> memref<10240x128xf32, #tpu.memory_space<vmem_shared>>
      tpu.enqueue_indirect_dma source(%arg7 : memref<128x128xf32, #tpu.memory_space<vmem>>) target(%dma_start3A_35 : memref<10240x128xf32, #tpu.memory_space<vmem_shared>>) offsets(%dma_start3A_32 : memref<128xi32, #tpu.memory_space<vmem>>) semaphore(%arg9 : memref<!tpu.dma_semaphore, #tpu.memory_space<semaphore_mem>>) {add = true}
      %add3A_36 = arith.constant 3 : i32
      %add3A_37 = arith.addi %add3A_12, %add3A_36 : i32
      %dma_start3A_38 = arith.constant 0 : i32
      %dma_start3A_39 = tpu.memref_slice %arg6[%add3A_37, %dma_start3A_38] : memref<80x128xi32, #tpu.memory_space<vmem>> -> memref<1x128xi32, #tpu.memory_space<vmem>>
      %dma_start3A_40 = tpu.memref_squeeze %dma_start3A_39 : memref<1x128xi32, #tpu.memory_space<vmem>> -> memref<128xi32, #tpu.memory_space<vmem>>
      %dma_start3A_41 = arith.constant 0 : i32
      %dma_start3A_42 = arith.constant 0 : i32
      %dma_start3A_43 = tpu.memref_slice %arg8[%dma_start3A_41, %dma_start3A_42] : memref<10240x128xf32, #tpu.memory_space<vmem_shared>> -> memref<10240x128xf32, #tpu.memory_space<vmem_shared>>
      tpu.enqueue_indirect_dma source(%arg7 : memref<128x128xf32, #tpu.memory_space<vmem>>) target(%dma_start3A_43 : memref<10240x128xf32, #tpu.memory_space<vmem_shared>>) offsets(%dma_start3A_40 : memref<128xi32, #tpu.memory_space<vmem>>) semaphore(%arg9 : memref<!tpu.dma_semaphore, #tpu.memory_space<semaphore_mem>>) {add = true}
      %add3A_44 = arith.constant 4 : i32
      %add3A_45 = arith.addi %add3A_12, %add3A_44 : i32
      %dma_start3A_46 = arith.constant 0 : i32
      %dma_start3A_47 = tpu.memref_slice %arg6[%add3A_45, %dma_start3A_46] : memref<80x128xi32, #tpu.memory_space<vmem>> -> memref<1x128xi32, #tpu.memory_space<vmem>>
      %dma_start3A_48 = tpu.memref_squeeze %dma_start3A_47 : memref<1x128xi32, #tpu.memory_space<vmem>> -> memref<128xi32, #tpu.memory_space<vmem>>
      %dma_start3A_49 = arith.constant 0 : i32
      %dma_start3A_50 = arith.constant 0 : i32
      %dma_start3A_51 = tpu.memref_slice %arg8[%dma_start3A_49, %dma_start3A_50] : memref<10240x128xf32, #tpu.memory_space<vmem_shared>> -> memref<10240x128xf32, #tpu.memory_space<vmem_shared>>
      tpu.enqueue_indirect_dma source(%arg7 : memref<128x128xf32, #tpu.memory_space<vmem>>) target(%dma_start3A_51 : memref<10240x128xf32, #tpu.memory_space<vmem_shared>>) offsets(%dma_start3A_48 : memref<128xi32, #tpu.memory_space<vmem>>) semaphore(%arg9 : memref<!tpu.dma_semaphore, #tpu.memory_space<semaphore_mem>>) {add = true}
      %add3A_52 = arith.constant 5 : i32
      %add3A_53 = arith.addi %add3A_12, %add3A_52 : i32
      %dma_start3A_54 = arith.constant 0 : i32
      %dma_start3A_55 = tpu.memref_slice %arg6[%add3A_53, %dma_start3A_54] : memref<80x128xi32, #tpu.memory_space<vmem>> -> memref<1x128xi32, #tpu.memory_space<vmem>>
      %dma_start3A_56 = tpu.memref_squeeze %dma_start3A_55 : memref<1x128xi32, #tpu.memory_space<vmem>> -> memref<128xi32, #tpu.memory_space<vmem>>
      %dma_start3A_57 = arith.constant 0 : i32
      %dma_start3A_58 = arith.constant 0 : i32
      %dma_start3A_59 = tpu.memref_slice %arg8[%dma_start3A_57, %dma_start3A_58] : memref<10240x128xf32, #tpu.memory_space<vmem_shared>> -> memref<10240x128xf32, #tpu.memory_space<vmem_shared>>
      tpu.enqueue_indirect_dma source(%arg7 : memref<128x128xf32, #tpu.memory_space<vmem>>) target(%dma_start3A_59 : memref<10240x128xf32, #tpu.memory_space<vmem_shared>>) offsets(%dma_start3A_56 : memref<128xi32, #tpu.memory_space<vmem>>) semaphore(%arg9 : memref<!tpu.dma_semaphore, #tpu.memory_space<semaphore_mem>>) {add = true}
      %add3A_60 = arith.constant 6 : i32
      %add3A_61 = arith.addi %add3A_12, %add3A_60 : i32
      %dma_start3A_62 = arith.constant 0 : i32
      %dma_start3A_63 = tpu.memref_slice %arg6[%add3A_61, %dma_start3A_62] : memref<80x128xi32, #tpu.memory_space<vmem>> -> memref<1x128xi32, #tpu.memory_space<vmem>>
      %dma_start3A_64 = tpu.memref_squeeze %dma_start3A_63 : memref<1x128xi32, #tpu.memory_space<vmem>> -> memref<128xi32, #tpu.memory_space<vmem>>
      %dma_start3A_65 = arith.constant 0 : i32
      %dma_start3A_66 = arith.constant 0 : i32
      %dma_start3A_67 = tpu.memref_slice %arg8[%dma_start3A_65, %dma_start3A_66] : memref<10240x128xf32, #tpu.memory_space<vmem_shared>> -> memref<10240x128xf32, #tpu.memory_space<vmem_shared>>
      tpu.enqueue_indirect_dma source(%arg7 : memref<128x128xf32, #tpu.memory_space<vmem>>) target(%dma_start3A_67 : memref<10240x128xf32, #tpu.memory_space<vmem_shared>>) offsets(%dma_start3A_64 : memref<128xi32, #tpu.memory_space<vmem>>) semaphore(%arg9 : memref<!tpu.dma_semaphore, #tpu.memory_space<semaphore_mem>>) {add = true}
      %add3A_68 = arith.constant 7 : i32
      %add3A_69 = arith.addi %add3A_12, %add3A_68 : i32
      %dma_start3A_70 = arith.constant 0 : i32
      %dma_start3A_71 = tpu.memref_slice %arg6[%add3A_69, %dma_start3A_70] : memref<80x128xi32, #tpu.memory_space<vmem>> -> memref<1x128xi32, #tpu.memory_space<vmem>>
      %dma_start3A_72 = tpu.memref_squeeze %dma_start3A_71 : memref<1x128xi32, #tpu.memory_space<vmem>> -> memref<128xi32, #tpu.memory_space<vmem>>
      %dma_start3A_73 = arith.constant 0 : i32
      %dma_start3A_74 = arith.constant 0 : i32
      %dma_start3A_75 = tpu.memref_slice %arg8[%dma_start3A_73, %dma_start3A_74] : memref<10240x128xf32, #tpu.memory_space<vmem_shared>> -> memref<10240x128xf32, #tpu.memory_space<vmem_shared>>
      tpu.enqueue_indirect_dma source(%arg7 : memref<128x128xf32, #tpu.memory_space<vmem>>) target(%dma_start3A_75 : memref<10240x128xf32, #tpu.memory_space<vmem_shared>>) offsets(%dma_start3A_72 : memref<128xi32, #tpu.memory_space<vmem>>) semaphore(%arg9 : memref<!tpu.dma_semaphore, #tpu.memory_space<semaphore_mem>>) {add = true}
      %add3A_76 = arith.constant 0 : i32
      %add3A_77 = arith.addi %add3A_12, %add3A_76 : i32
      %dma_wait3A = arith.constant 0 : i32
      %dma_wait3A_78 = tpu.memref_slice %arg6[%add3A_77, %dma_wait3A] : memref<80x128xi32, #tpu.memory_space<vmem>> -> memref<1x128xi32, #tpu.memory_space<vmem>>
      %dma_wait3A_79 = tpu.memref_squeeze %dma_wait3A_78 : memref<1x128xi32, #tpu.memory_space<vmem>> -> memref<128xi32, #tpu.memory_space<vmem>>
      %dma_wait3A_80 = arith.constant 0 : i32
      %dma_wait3A_81 = arith.constant 0 : i32
      %dma_wait3A_82 = tpu.memref_slice %arg8[%dma_wait3A_80, %dma_wait3A_81] : memref<10240x128xf32, #tpu.memory_space<vmem_shared>> -> memref<10240x128xf32, #tpu.memory_space<vmem_shared>>
      tpu.wait_indirect_dma semaphore(%arg9 : memref<!tpu.dma_semaphore, #tpu.memory_space<semaphore_mem>>) src(%arg7 : memref<128x128xf32, #tpu.memory_space<vmem>>) dst(%dma_wait3A_82 : memref<10240x128xf32, #tpu.memory_space<vmem_shared>>)
      %add3A_83 = arith.constant 1 : i32
      %add3A_84 = arith.addi %add3A_12, %add3A_83 : i32
      %dma_wait3A_85 = arith.constant 0 : i32
      %dma_wait3A_86 = tpu.memref_slice %arg6[%add3A_84, %dma_wait3A_85] : memref<80x128xi32, #tpu.memory_space<vmem>> -> memref<1x128xi32, #tpu.memory_space<vmem>>
      %dma_wait3A_87 = tpu.memref_squeeze %dma_wait3A_86 : memref<1x128xi32, #tpu.memory_space<vmem>> -> memref<128xi32, #tpu.memory_space<vmem>>
      %dma_wait3A_88 = arith.constant 0 : i32
      %dma_wait3A_89 = arith.constant 0 : i32
      %dma_wait3A_90 = tpu.memref_slice %arg8[%dma_wait3A_88, %dma_wait3A_89] : memref<10240x128xf32, #tpu.memory_space<vmem_shared>> -> memref<10240x128xf32, #tpu.memory_space<vmem_shared>>
      tpu.wait_indirect_dma semaphore(%arg9 : memref<!tpu.dma_semaphore, #tpu.memory_space<semaphore_mem>>) src(%arg7 : memref<128x128xf32, #tpu.memory_space<vmem>>) dst(%dma_wait3A_90 : memref<10240x128xf32, #tpu.memory_space<vmem_shared>>)
      %add3A_91 = arith.constant 2 : i32
      %add3A_92 = arith.addi %add3A_12, %add3A_91 : i32
      %dma_wait3A_93 = arith.constant 0 : i32
      %dma_wait3A_94 = tpu.memref_slice %arg6[%add3A_92, %dma_wait3A_93] : memref<80x128xi32, #tpu.memory_space<vmem>> -> memref<1x128xi32, #tpu.memory_space<vmem>>
      %dma_wait3A_95 = tpu.memref_squeeze %dma_wait3A_94 : memref<1x128xi32, #tpu.memory_space<vmem>> -> memref<128xi32, #tpu.memory_space<vmem>>
      %dma_wait3A_96 = arith.constant 0 : i32
      %dma_wait3A_97 = arith.constant 0 : i32
      %dma_wait3A_98 = tpu.memref_slice %arg8[%dma_wait3A_96, %dma_wait3A_97] : memref<10240x128xf32, #tpu.memory_space<vmem_shared>> -> memref<10240x128xf32, #tpu.memory_space<vmem_shared>>
      tpu.wait_indirect_dma semaphore(%arg9 : memref<!tpu.dma_semaphore, #tpu.memory_space<semaphore_mem>>) src(%arg7 : memref<128x128xf32, #tpu.memory_space<vmem>>) dst(%dma_wait3A_98 : memref<10240x128xf32, #tpu.memory_space<vmem_shared>>)
      %add3A_99 = arith.constant 3 : i32
      %add3A_100 = arith.addi %add3A_12, %add3A_99 : i32
      %dma_wait3A_101 = arith.constant 0 : i32
      %dma_wait3A_102 = tpu.memref_slice %arg6[%add3A_100, %dma_wait3A_101] : memref<80x128xi32, #tpu.memory_space<vmem>> -> memref<1x128xi32, #tpu.memory_space<vmem>>
      %dma_wait3A_103 = tpu.memref_squeeze %dma_wait3A_102 : memref<1x128xi32, #tpu.memory_space<vmem>> -> memref<128xi32, #tpu.memory_space<vmem>>
      %dma_wait3A_104 = arith.constant 0 : i32
      %dma_wait3A_105 = arith.constant 0 : i32
      %dma_wait3A_106 = tpu.memref_slice %arg8[%dma_wait3A_104, %dma_wait3A_105] : memref<10240x128xf32, #tpu.memory_space<vmem_shared>> -> memref<10240x128xf32, #tpu.memory_space<vmem_shared>>
      tpu.wait_indirect_dma semaphore(%arg9 : memref<!tpu.dma_semaphore, #tpu.memory_space<semaphore_mem>>) src(%arg7 : memref<128x128xf32, #tpu.memory_space<vmem>>) dst(%dma_wait3A_106 : memref<10240x128xf32, #tpu.memory_space<vmem_shared>>)
      %add3A_107 = arith.constant 4 : i32
      %add3A_108 = arith.addi %add3A_12, %add3A_107 : i32
      %dma_wait3A_109 = arith.constant 0 : i32
      %dma_wait3A_110 = tpu.memref_slice %arg6[%add3A_108, %dma_wait3A_109] : memref<80x128xi32, #tpu.memory_space<vmem>> -> memref<1x128xi32, #tpu.memory_space<vmem>>
      %dma_wait3A_111 = tpu.memref_squeeze %dma_wait3A_110 : memref<1x128xi32, #tpu.memory_space<vmem>> -> memref<128xi32, #tpu.memory_space<vmem>>
      %dma_wait3A_112 = arith.constant 0 : i32
      %dma_wait3A_113 = arith.constant 0 : i32
      %dma_wait3A_114 = tpu.memref_slice %arg8[%dma_wait3A_112, %dma_wait3A_113] : memref<10240x128xf32, #tpu.memory_space<vmem_shared>> -> memref<10240x128xf32, #tpu.memory_space<vmem_shared>>
      tpu.wait_indirect_dma semaphore(%arg9 : memref<!tpu.dma_semaphore, #tpu.memory_space<semaphore_mem>>) src(%arg7 : memref<128x128xf32, #tpu.memory_space<vmem>>) dst(%dma_wait3A_114 : memref<10240x128xf32, #tpu.memory_space<vmem_shared>>)
      %add3A_115 = arith.constant 5 : i32
      %add3A_116 = arith.addi %add3A_12, %add3A_115 : i32
      %dma_wait3A_117 = arith.constant 0 : i32
      %dma_wait3A_118 = tpu.memref_slice %arg6[%add3A_116, %dma_wait3A_117] : memref<80x128xi32, #tpu.memory_space<vmem>> -> memref<1x128xi32, #tpu.memory_space<vmem>>
      %dma_wait3A_119 = tpu.memref_squeeze %dma_wait3A_118 : memref<1x128xi32, #tpu.memory_space<vmem>> -> memref<128xi32, #tpu.memory_space<vmem>>
      %dma_wait3A_120 = arith.constant 0 : i32
      %dma_wait3A_121 = arith.constant 0 : i32
      %dma_wait3A_122 = tpu.memref_slice %arg8[%dma_wait3A_120, %dma_wait3A_121] : memref<10240x128xf32, #tpu.memory_space<vmem_shared>> -> memref<10240x128xf32, #tpu.memory_space<vmem_shared>>
      tpu.wait_indirect_dma semaphore(%arg9 : memref<!tpu.dma_semaphore, #tpu.memory_space<semaphore_mem>>) src(%arg7 : memref<128x128xf32, #tpu.memory_space<vmem>>) dst(%dma_wait3A_122 : memref<10240x128xf32, #tpu.memory_space<vmem_shared>>)
      %add3A_123 = arith.constant 6 : i32
      %add3A_124 = arith.addi %add3A_12, %add3A_123 : i32
      %dma_wait3A_125 = arith.constant 0 : i32
      %dma_wait3A_126 = tpu.memref_slice %arg6[%add3A_124, %dma_wait3A_125] : memref<80x128xi32, #tpu.memory_space<vmem>> -> memref<1x128xi32, #tpu.memory_space<vmem>>
      %dma_wait3A_127 = tpu.memref_squeeze %dma_wait3A_126 : memref<1x128xi32, #tpu.memory_space<vmem>> -> memref<128xi32, #tpu.memory_space<vmem>>
      %dma_wait3A_128 = arith.constant 0 : i32
      %dma_wait3A_129 = arith.constant 0 : i32
      %dma_wait3A_130 = tpu.memref_slice %arg8[%dma_wait3A_128, %dma_wait3A_129] : memref<10240x128xf32, #tpu.memory_space<vmem_shared>> -> memref<10240x128xf32, #tpu.memory_space<vmem_shared>>
      tpu.wait_indirect_dma semaphore(%arg9 : memref<!tpu.dma_semaphore, #tpu.memory_space<semaphore_mem>>) src(%arg7 : memref<128x128xf32, #tpu.memory_space<vmem>>) dst(%dma_wait3A_130 : memref<10240x128xf32, #tpu.memory_space<vmem_shared>>)
      %add3A_131 = arith.constant 7 : i32
      %add3A_132 = arith.addi %add3A_12, %add3A_131 : i32
      %dma_wait3A_133 = arith.constant 0 : i32
      %dma_wait3A_134 = tpu.memref_slice %arg6[%add3A_132, %dma_wait3A_133] : memref<80x128xi32, #tpu.memory_space<vmem>> -> memref<1x128xi32, #tpu.memory_space<vmem>>
      %dma_wait3A_135 = tpu.memref_squeeze %dma_wait3A_134 : memref<1x128xi32, #tpu.memory_space<vmem>> -> memref<128xi32, #tpu.memory_space<vmem>>
      %dma_wait3A_136 = arith.constant 0 : i32
      %dma_wait3A_137 = arith.constant 0 : i32
      %dma_wait3A_138 = tpu.memref_slice %arg8[%dma_wait3A_136, %dma_wait3A_137] : memref<10240x128xf32, #tpu.memory_space<vmem_shared>> -> memref<10240x128xf32, #tpu.memory_space<vmem_shared>>
      tpu.wait_indirect_dma semaphore(%arg9 : memref<!tpu.dma_semaphore, #tpu.memory_space<semaphore_mem>>) src(%arg7 : memref<128x128xf32, #tpu.memory_space<vmem>>) dst(%dma_wait3A_138 : memref<10240x128xf32, #tpu.memory_space<vmem_shared>>)
    }
    %scan3A_6 = arith.constant 10 : i32
    %barrier3A_7 = arith.constant 0 : index
    tpu.barrier barrier_id(%barrier3A_7)
    "tpu.region"() ({
      %run_scoped3A = tpu.sem_alloc : memref<!tpu.dma_semaphore, #tpu.memory_space<semaphore_mem>>
      %dma_start3A = arith.constant 0 : i32
      %dma_start3A_8 = tpu.memref_slice %arg5[%arg0, %mul3A_2, %dma_start3A] : memref<2x10240x128xf32, #tpu.memory_space<hbm>> -> memref<1x640x128xf32, #tpu.memory_space<hbm>>
      %dma_start3A_9 = tpu.memref_squeeze %dma_start3A_8 : memref<1x640x128xf32, #tpu.memory_space<hbm>> -> memref<640x128xf32, #tpu.memory_space<hbm>>
      %dma_start3A_10 = arith.constant 0 : i32
      %dma_start3A_11 = tpu.memref_slice %arg8[%mul3A_2, %dma_start3A_10] : memref<10240x128xf32, #tpu.memory_space<vmem_shared>> -> memref<640x128xf32, #tpu.memory_space<vmem_shared>>
      tpu.enqueue_dma source(%dma_start3A_11 : memref<640x128xf32, #tpu.memory_space<vmem_shared>>) target(%dma_start3A_9 : memref<640x128xf32, #tpu.memory_space<hbm>>) target_semaphore(%run_scoped3A : memref<!tpu.dma_semaphore, #tpu.memory_space<semaphore_mem>>)
      %dma_wait3A = arith.constant 0 : i32
      %dma_wait3A_12 = tpu.memref_slice %arg5[%arg0, %mul3A_2, %dma_wait3A] : memref<2x10240x128xf32, #tpu.memory_space<hbm>> -> memref<1x640x128xf32, #tpu.memory_space<hbm>>
      %dma_wait3A_13 = tpu.memref_squeeze %dma_wait3A_12 : memref<1x640x128xf32, #tpu.memory_space<hbm>> -> memref<640x128xf32, #tpu.memory_space<hbm>>
      %dma_wait3A_14 = arith.constant 0 : i32
      %dma_wait3A_15 = tpu.memref_slice %arg8[%mul3A_2, %dma_wait3A_14] : memref<10240x128xf32, #tpu.memory_space<vmem_shared>> -> memref<640x128xf32, #tpu.memory_space<vmem_shared>>
      tpu.wait_dma2 semaphore(%run_scoped3A : memref<!tpu.dma_semaphore, #tpu.memory_space<semaphore_mem>>) src(%dma_wait3A_15 : memref<640x128xf32, #tpu.memory_space<vmem_shared>>) dst(%dma_wait3A_13 : memref<640x128xf32, #tpu.memory_space<hbm>>)
      tpu.yield
    }) : () -> ()
    return
  }
}

#map = affine_map<(d0, d1) -> (0, 0)>
#map1 = affine_map<(d0, d1) -> (0, 0, 0, 0)>
#map2 = affine_map<(d0, d1) -> (0, 0, 0)>
module attributes {stable_mosaic.version = 14 : i64} {
  func.func @k(%arg0: i32, %arg1: i32, %arg2: memref<10240x128xf32, #tpu.memory_space<hbm>>, %arg3: memref<16x16x40x32xi32, #tpu.memory_space<hbm>>, %arg4: memref<16x16x40x32xi32, #tpu.memory_space<hbm>>, %arg5: memref<10240x128xf32, #tpu.memory_space<hbm>>, %arg6: memref<2x10240x128xf32, #tpu.memory_space<hbm>>, %arg7: memref<40x32xi32, #tpu.memory_space<vmem>>, %arg8: memref<40x32xi32, #tpu.memory_space<vmem>>, %arg9: memref<32x128xf32, #tpu.memory_space<vmem>>, %arg10: memref<32x128xf32, #tpu.memory_space<vmem>>, %arg11: memref<32x128xf32, #tpu.memory_space<vmem>>, %arg12: memref<32x128xf32, #tpu.memory_space<vmem>>, %arg13: memref<32x128xf32, #tpu.memory_space<vmem>>, %arg14: memref<32x128xf32, #tpu.memory_space<vmem>>, %arg15: memref<32x128xf32, #tpu.memory_space<vmem>>, %arg16: memref<32x128xf32, #tpu.memory_space<vmem>>, %arg17: memref<10240x128xf32, #tpu.memory_space<vmem_shared>>, %arg18: memref<!tpu.dma_semaphore, #tpu.memory_space<semaphore_mem>>, %arg19: memref<!tpu.dma_semaphore, #tpu.memory_space<semaphore_mem>>, %arg20: memref<!tpu.dma_semaphore, #tpu.memory_space<semaphore_mem>>, %arg21: memref<!tpu.dma_semaphore, #tpu.memory_space<semaphore_mem>>, %arg22: memref<!tpu.dma_semaphore, #tpu.memory_space<semaphore_mem>>, %arg23: memref<!tpu.dma_semaphore, #tpu.memory_space<semaphore_mem>>, %arg24: memref<!tpu.dma_semaphore, #tpu.memory_space<semaphore_mem>>, %arg25: memref<!tpu.dma_semaphore, #tpu.memory_space<semaphore_mem>>, %arg26: memref<!tpu.dma_semaphore, #tpu.memory_space<semaphore_mem>>, %arg27: memref<!tpu.dma_semaphore, #tpu.memory_space<semaphore_mem>>, %arg28: memref<!tpu.dma_semaphore, #tpu.memory_space<semaphore_mem>>, %arg29: memref<!tpu.dma_semaphore, #tpu.memory_space<semaphore_mem>>, %arg30: memref<!tpu.dma_semaphore, #tpu.memory_space<semaphore_mem>>, %arg31: memref<!tpu.dma_semaphore, #tpu.memory_space<semaphore_mem>>, %arg32: memref<!tpu.dma_semaphore, #tpu.memory_space<semaphore_mem>>, %arg33: memref<!tpu.dma_semaphore, #tpu.memory_space<semaphore_mem>>) attributes {dimension_semantics = [#tpu.dimension_semantics<core_parallel>, #tpu.dimension_semantics<subcore_parallel>], iteration_bounds = array<i64: 2, 16>, scalar_prefetch = 0 : i64, scratch_operands = 27 : i64, tpu.core_type = #tpu.core_type<sc_vector_subcore>, window_params = [{transform_indices = #map}, {transform_indices = #map1}, {transform_indices = #map1}, {transform_indices = #map}, {transform_indices = #map2}]} {
    %mul3A = arith.constant 12 : i32
    %mul3A_0 = arith.muli %arg0, %mul3A : i32
    %eq3A = arith.constant 0 : i32
    %eq3A_1 = arith.cmpi eq, %arg0, %eq3A : i32
    %jit3A = arith.constant 12 : i32
    %jit3A_2 = arith.constant 4 : i32
    %select_n3A = arith.select %eq3A_1, %jit3A, %jit3A_2 : i32
    %mul3A_3 = arith.constant 640 : i32
    %mul3A_4 = arith.muli %arg1, %mul3A_3 : i32
    "tpu.region"() ({
      %run_scoped3A = tpu.sem_alloc : memref<!tpu.dma_semaphore, #tpu.memory_space<semaphore_mem>>
      %dma_start3A = arith.constant 0 : i32
      %dma_start3A_10 = tpu.memref_slice %arg17[%mul3A_4, %dma_start3A] : memref<10240x128xf32, #tpu.memory_space<vmem_shared>> -> memref<640x128xf32, #tpu.memory_space<vmem_shared>>
      %dma_start3A_11 = arith.constant 0 : i32
      %dma_start3A_12 = tpu.memref_slice %arg5[%mul3A_4, %dma_start3A_11] : memref<10240x128xf32, #tpu.memory_space<hbm>> -> memref<640x128xf32, #tpu.memory_space<hbm>>
      tpu.enqueue_dma source(%dma_start3A_12 : memref<640x128xf32, #tpu.memory_space<hbm>>) target(%dma_start3A_10 : memref<640x128xf32, #tpu.memory_space<vmem_shared>>) target_semaphore(%run_scoped3A : memref<!tpu.dma_semaphore, #tpu.memory_space<semaphore_mem>>)
      %dma_wait3A = arith.constant 0 : i32
      %dma_wait3A_13 = tpu.memref_slice %arg17[%mul3A_4, %dma_wait3A] : memref<10240x128xf32, #tpu.memory_space<vmem_shared>> -> memref<640x128xf32, #tpu.memory_space<vmem_shared>>
      %dma_wait3A_14 = arith.constant 0 : i32
      %dma_wait3A_15 = tpu.memref_slice %arg5[%mul3A_4, %dma_wait3A_14] : memref<10240x128xf32, #tpu.memory_space<hbm>> -> memref<640x128xf32, #tpu.memory_space<hbm>>
      tpu.wait_dma2 semaphore(%run_scoped3A : memref<!tpu.dma_semaphore, #tpu.memory_space<semaphore_mem>>) src(%dma_wait3A_15 : memref<640x128xf32, #tpu.memory_space<hbm>>) dst(%dma_wait3A_13 : memref<640x128xf32, #tpu.memory_space<vmem_shared>>)
      tpu.yield
    }) : () -> ()
    %barrier3A = arith.constant 0 : index
    tpu.barrier barrier_id(%barrier3A)
    %scan3A = arith.constant 0 : i32
    %scan3A_5 = arith.constant 12 : i32
    %scan3A_6 = arith.addi %scan3A, %scan3A_5 : i32
    %scan3A_7 = arith.constant 1 : i32
    scf.for %scan3A_10 = %scan3A to %scan3A_6 step %scan3A_7  : i32 {
      %mul3A_11 = arith.constant 1 : i32
      %mul3A_12 = arith.muli %scan3A_10, %mul3A_11 : i32
      %add3A = arith.constant 0 : i32
      %add3A_13 = arith.addi %add3A, %mul3A_12 : i32
      %lt3A = arith.cmpi slt, %add3A_13, %select_n3A : i32
      %convert_element_type3A = arith.extui %lt3A : i1 to i32
      %cond3A = arith.constant 0 : i32
      %cond3A_14 = arith.cmpi ne, %convert_element_type3A, %cond3A : i32
      scf.if %cond3A_14 {
        %add3A_15 = arith.addi %mul3A_0, %add3A_13 : i32
        "tpu.region"() ({
          %run_scoped3A = tpu.sem_alloc : memref<!tpu.dma_semaphore, #tpu.memory_space<semaphore_mem>>
          %dma_start3A_243 = arith.constant 0 : i32
          %dma_start3A_244 = arith.constant 0 : i32
          %dma_start3A_245 = tpu.memref_slice %arg3[%add3A_15, %arg1, %dma_start3A_243, %dma_start3A_244] : memref<16x16x40x32xi32, #tpu.memory_space<hbm>> -> memref<1x1x40x32xi32, #tpu.memory_space<hbm>>
          %dma_start3A_246 = tpu.memref_squeeze %dma_start3A_245 : memref<1x1x40x32xi32, #tpu.memory_space<hbm>> -> memref<40x32xi32, #tpu.memory_space<hbm>>
          %dma_start3A_247 = arith.constant 0 : i32
          %dma_start3A_248 = arith.constant 0 : i32
          %dma_start3A_249 = tpu.memref_slice %arg3[%add3A_15, %arg1, %dma_start3A_247, %dma_start3A_248] : memref<16x16x40x32xi32, #tpu.memory_space<hbm>> -> memref<1x1x40x32xi32, #tpu.memory_space<hbm>>
          %dma_start3A_250 = tpu.memref_squeeze %dma_start3A_249 : memref<1x1x40x32xi32, #tpu.memory_space<hbm>> -> memref<40x32xi32, #tpu.memory_space<hbm>>
          tpu.enqueue_dma source(%dma_start3A_250 : memref<40x32xi32, #tpu.memory_space<hbm>>) target(%arg7 : memref<40x32xi32, #tpu.memory_space<vmem>>) target_semaphore(%run_scoped3A : memref<!tpu.dma_semaphore, #tpu.memory_space<semaphore_mem>>)
          %dma_wait3A_251 = arith.constant 0 : i32
          %dma_wait3A_252 = arith.constant 0 : i32
          %dma_wait3A_253 = tpu.memref_slice %arg3[%add3A_15, %arg1, %dma_wait3A_251, %dma_wait3A_252] : memref<16x16x40x32xi32, #tpu.memory_space<hbm>> -> memref<1x1x40x32xi32, #tpu.memory_space<hbm>>
          %dma_wait3A_254 = tpu.memref_squeeze %dma_wait3A_253 : memref<1x1x40x32xi32, #tpu.memory_space<hbm>> -> memref<40x32xi32, #tpu.memory_space<hbm>>
          %dma_wait3A_255 = arith.constant 0 : i32
          %dma_wait3A_256 = arith.constant 0 : i32
          %dma_wait3A_257 = tpu.memref_slice %arg3[%add3A_15, %arg1, %dma_wait3A_255, %dma_wait3A_256] : memref<16x16x40x32xi32, #tpu.memory_space<hbm>> -> memref<1x1x40x32xi32, #tpu.memory_space<hbm>>
          %dma_wait3A_258 = tpu.memref_squeeze %dma_wait3A_257 : memref<1x1x40x32xi32, #tpu.memory_space<hbm>> -> memref<40x32xi32, #tpu.memory_space<hbm>>
          tpu.wait_dma2 semaphore(%run_scoped3A : memref<!tpu.dma_semaphore, #tpu.memory_space<semaphore_mem>>) src(%dma_wait3A_258 : memref<40x32xi32, #tpu.memory_space<hbm>>) dst(%arg7 : memref<40x32xi32, #tpu.memory_space<vmem>>)
          tpu.yield
        }) : () -> ()
        "tpu.region"() ({
          %run_scoped3A = tpu.sem_alloc : memref<!tpu.dma_semaphore, #tpu.memory_space<semaphore_mem>>
          %dma_start3A_243 = arith.constant 0 : i32
          %dma_start3A_244 = arith.constant 0 : i32
          %dma_start3A_245 = tpu.memref_slice %arg4[%add3A_15, %arg1, %dma_start3A_243, %dma_start3A_244] : memref<16x16x40x32xi32, #tpu.memory_space<hbm>> -> memref<1x1x40x32xi32, #tpu.memory_space<hbm>>
          %dma_start3A_246 = tpu.memref_squeeze %dma_start3A_245 : memref<1x1x40x32xi32, #tpu.memory_space<hbm>> -> memref<40x32xi32, #tpu.memory_space<hbm>>
          %dma_start3A_247 = arith.constant 0 : i32
          %dma_start3A_248 = arith.constant 0 : i32
          %dma_start3A_249 = tpu.memref_slice %arg4[%add3A_15, %arg1, %dma_start3A_247, %dma_start3A_248] : memref<16x16x40x32xi32, #tpu.memory_space<hbm>> -> memref<1x1x40x32xi32, #tpu.memory_space<hbm>>
          %dma_start3A_250 = tpu.memref_squeeze %dma_start3A_249 : memref<1x1x40x32xi32, #tpu.memory_space<hbm>> -> memref<40x32xi32, #tpu.memory_space<hbm>>
          tpu.enqueue_dma source(%dma_start3A_250 : memref<40x32xi32, #tpu.memory_space<hbm>>) target(%arg8 : memref<40x32xi32, #tpu.memory_space<vmem>>) target_semaphore(%run_scoped3A : memref<!tpu.dma_semaphore, #tpu.memory_space<semaphore_mem>>)
          %dma_wait3A_251 = arith.constant 0 : i32
          %dma_wait3A_252 = arith.constant 0 : i32
          %dma_wait3A_253 = tpu.memref_slice %arg4[%add3A_15, %arg1, %dma_wait3A_251, %dma_wait3A_252] : memref<16x16x40x32xi32, #tpu.memory_space<hbm>> -> memref<1x1x40x32xi32, #tpu.memory_space<hbm>>
          %dma_wait3A_254 = tpu.memref_squeeze %dma_wait3A_253 : memref<1x1x40x32xi32, #tpu.memory_space<hbm>> -> memref<40x32xi32, #tpu.memory_space<hbm>>
          %dma_wait3A_255 = arith.constant 0 : i32
          %dma_wait3A_256 = arith.constant 0 : i32
          %dma_wait3A_257 = tpu.memref_slice %arg4[%add3A_15, %arg1, %dma_wait3A_255, %dma_wait3A_256] : memref<16x16x40x32xi32, #tpu.memory_space<hbm>> -> memref<1x1x40x32xi32, #tpu.memory_space<hbm>>
          %dma_wait3A_258 = tpu.memref_squeeze %dma_wait3A_257 : memref<1x1x40x32xi32, #tpu.memory_space<hbm>> -> memref<40x32xi32, #tpu.memory_space<hbm>>
          tpu.wait_dma2 semaphore(%run_scoped3A : memref<!tpu.dma_semaphore, #tpu.memory_space<semaphore_mem>>) src(%dma_wait3A_258 : memref<40x32xi32, #tpu.memory_space<hbm>>) dst(%arg8 : memref<40x32xi32, #tpu.memory_space<vmem>>)
          tpu.yield
        }) : () -> ()
        %dma_start3A = arith.constant 0 : i32
        %dma_start3A_16 = arith.constant 0 : i32
        %dma_start3A_17 = tpu.memref_slice %arg7[%dma_start3A, %dma_start3A_16] : memref<40x32xi32, #tpu.memory_space<vmem>> -> memref<1x32xi32, #tpu.memory_space<vmem>>
        %dma_start3A_18 = tpu.memref_squeeze %dma_start3A_17 : memref<1x32xi32, #tpu.memory_space<vmem>> -> memref<32xi32, #tpu.memory_space<vmem>>
        %dma_start3A_19 = arith.constant 0 : i32
        %dma_start3A_20 = arith.constant 0 : i32
        %dma_start3A_21 = tpu.memref_slice %arg2[%dma_start3A_19, %dma_start3A_20] : memref<10240x128xf32, #tpu.memory_space<hbm>> -> memref<10240x128xf32, #tpu.memory_space<hbm>>
        tpu.enqueue_indirect_dma source(%dma_start3A_21 : memref<10240x128xf32, #tpu.memory_space<hbm>>) target(%arg9 : memref<32x128xf32, #tpu.memory_space<vmem>>) offsets(%dma_start3A_18 : memref<32xi32, #tpu.memory_space<vmem>>) semaphore(%arg18 : memref<!tpu.dma_semaphore, #tpu.memory_space<semaphore_mem>>)
        %dma_start3A_22 = arith.constant 1 : i32
        %dma_start3A_23 = arith.constant 0 : i32
        %dma_start3A_24 = tpu.memref_slice %arg7[%dma_start3A_22, %dma_start3A_23] : memref<40x32xi32, #tpu.memory_space<vmem>> -> memref<1x32xi32, #tpu.memory_space<vmem>>
        %dma_start3A_25 = tpu.memref_squeeze %dma_start3A_24 : memref<1x32xi32, #tpu.memory_space<vmem>> -> memref<32xi32, #tpu.memory_space<vmem>>
        %dma_start3A_26 = arith.constant 0 : i32
        %dma_start3A_27 = arith.constant 0 : i32
        %dma_start3A_28 = tpu.memref_slice %arg2[%dma_start3A_26, %dma_start3A_27] : memref<10240x128xf32, #tpu.memory_space<hbm>> -> memref<10240x128xf32, #tpu.memory_space<hbm>>
        tpu.enqueue_indirect_dma source(%dma_start3A_28 : memref<10240x128xf32, #tpu.memory_space<hbm>>) target(%arg10 : memref<32x128xf32, #tpu.memory_space<vmem>>) offsets(%dma_start3A_25 : memref<32xi32, #tpu.memory_space<vmem>>) semaphore(%arg19 : memref<!tpu.dma_semaphore, #tpu.memory_space<semaphore_mem>>)
        %dma_start3A_29 = arith.constant 2 : i32
        %dma_start3A_30 = arith.constant 0 : i32
        %dma_start3A_31 = tpu.memref_slice %arg7[%dma_start3A_29, %dma_start3A_30] : memref<40x32xi32, #tpu.memory_space<vmem>> -> memref<1x32xi32, #tpu.memory_space<vmem>>
        %dma_start3A_32 = tpu.memref_squeeze %dma_start3A_31 : memref<1x32xi32, #tpu.memory_space<vmem>> -> memref<32xi32, #tpu.memory_space<vmem>>
        %dma_start3A_33 = arith.constant 0 : i32
        %dma_start3A_34 = arith.constant 0 : i32
        %dma_start3A_35 = tpu.memref_slice %arg2[%dma_start3A_33, %dma_start3A_34] : memref<10240x128xf32, #tpu.memory_space<hbm>> -> memref<10240x128xf32, #tpu.memory_space<hbm>>
        tpu.enqueue_indirect_dma source(%dma_start3A_35 : memref<10240x128xf32, #tpu.memory_space<hbm>>) target(%arg11 : memref<32x128xf32, #tpu.memory_space<vmem>>) offsets(%dma_start3A_32 : memref<32xi32, #tpu.memory_space<vmem>>) semaphore(%arg20 : memref<!tpu.dma_semaphore, #tpu.memory_space<semaphore_mem>>)
        %dma_start3A_36 = arith.constant 3 : i32
        %dma_start3A_37 = arith.constant 0 : i32
        %dma_start3A_38 = tpu.memref_slice %arg7[%dma_start3A_36, %dma_start3A_37] : memref<40x32xi32, #tpu.memory_space<vmem>> -> memref<1x32xi32, #tpu.memory_space<vmem>>
        %dma_start3A_39 = tpu.memref_squeeze %dma_start3A_38 : memref<1x32xi32, #tpu.memory_space<vmem>> -> memref<32xi32, #tpu.memory_space<vmem>>
        %dma_start3A_40 = arith.constant 0 : i32
        %dma_start3A_41 = arith.constant 0 : i32
        %dma_start3A_42 = tpu.memref_slice %arg2[%dma_start3A_40, %dma_start3A_41] : memref<10240x128xf32, #tpu.memory_space<hbm>> -> memref<10240x128xf32, #tpu.memory_space<hbm>>
        tpu.enqueue_indirect_dma source(%dma_start3A_42 : memref<10240x128xf32, #tpu.memory_space<hbm>>) target(%arg12 : memref<32x128xf32, #tpu.memory_space<vmem>>) offsets(%dma_start3A_39 : memref<32xi32, #tpu.memory_space<vmem>>) semaphore(%arg21 : memref<!tpu.dma_semaphore, #tpu.memory_space<semaphore_mem>>)
        %dma_start3A_43 = arith.constant 4 : i32
        %dma_start3A_44 = arith.constant 0 : i32
        %dma_start3A_45 = tpu.memref_slice %arg7[%dma_start3A_43, %dma_start3A_44] : memref<40x32xi32, #tpu.memory_space<vmem>> -> memref<1x32xi32, #tpu.memory_space<vmem>>
        %dma_start3A_46 = tpu.memref_squeeze %dma_start3A_45 : memref<1x32xi32, #tpu.memory_space<vmem>> -> memref<32xi32, #tpu.memory_space<vmem>>
        %dma_start3A_47 = arith.constant 0 : i32
        %dma_start3A_48 = arith.constant 0 : i32
        %dma_start3A_49 = tpu.memref_slice %arg2[%dma_start3A_47, %dma_start3A_48] : memref<10240x128xf32, #tpu.memory_space<hbm>> -> memref<10240x128xf32, #tpu.memory_space<hbm>>
        tpu.enqueue_indirect_dma source(%dma_start3A_49 : memref<10240x128xf32, #tpu.memory_space<hbm>>) target(%arg13 : memref<32x128xf32, #tpu.memory_space<vmem>>) offsets(%dma_start3A_46 : memref<32xi32, #tpu.memory_space<vmem>>) semaphore(%arg22 : memref<!tpu.dma_semaphore, #tpu.memory_space<semaphore_mem>>)
        %dma_start3A_50 = arith.constant 5 : i32
        %dma_start3A_51 = arith.constant 0 : i32
        %dma_start3A_52 = tpu.memref_slice %arg7[%dma_start3A_50, %dma_start3A_51] : memref<40x32xi32, #tpu.memory_space<vmem>> -> memref<1x32xi32, #tpu.memory_space<vmem>>
        %dma_start3A_53 = tpu.memref_squeeze %dma_start3A_52 : memref<1x32xi32, #tpu.memory_space<vmem>> -> memref<32xi32, #tpu.memory_space<vmem>>
        %dma_start3A_54 = arith.constant 0 : i32
        %dma_start3A_55 = arith.constant 0 : i32
        %dma_start3A_56 = tpu.memref_slice %arg2[%dma_start3A_54, %dma_start3A_55] : memref<10240x128xf32, #tpu.memory_space<hbm>> -> memref<10240x128xf32, #tpu.memory_space<hbm>>
        tpu.enqueue_indirect_dma source(%dma_start3A_56 : memref<10240x128xf32, #tpu.memory_space<hbm>>) target(%arg14 : memref<32x128xf32, #tpu.memory_space<vmem>>) offsets(%dma_start3A_53 : memref<32xi32, #tpu.memory_space<vmem>>) semaphore(%arg23 : memref<!tpu.dma_semaphore, #tpu.memory_space<semaphore_mem>>)
        %dma_wait3A = arith.constant 0 : i32
        %dma_wait3A_57 = arith.constant 0 : i32
        %dma_wait3A_58 = tpu.memref_slice %arg7[%dma_wait3A, %dma_wait3A_57] : memref<40x32xi32, #tpu.memory_space<vmem>> -> memref<1x32xi32, #tpu.memory_space<vmem>>
        %dma_wait3A_59 = tpu.memref_squeeze %dma_wait3A_58 : memref<1x32xi32, #tpu.memory_space<vmem>> -> memref<32xi32, #tpu.memory_space<vmem>>
        %dma_wait3A_60 = arith.constant 0 : i32
        %dma_wait3A_61 = arith.constant 0 : i32
        %dma_wait3A_62 = tpu.memref_slice %arg2[%dma_wait3A_60, %dma_wait3A_61] : memref<10240x128xf32, #tpu.memory_space<hbm>> -> memref<10240x128xf32, #tpu.memory_space<hbm>>
        tpu.wait_indirect_dma semaphore(%arg18 : memref<!tpu.dma_semaphore, #tpu.memory_space<semaphore_mem>>) src(%dma_wait3A_62 : memref<10240x128xf32, #tpu.memory_space<hbm>>) dst(%arg9 : memref<32x128xf32, #tpu.memory_space<vmem>>)
        %dma_start3A_63 = arith.constant 0 : i32
        %dma_start3A_64 = arith.constant 0 : i32
        %dma_start3A_65 = tpu.memref_slice %arg8[%dma_start3A_63, %dma_start3A_64] : memref<40x32xi32, #tpu.memory_space<vmem>> -> memref<1x32xi32, #tpu.memory_space<vmem>>
        %dma_start3A_66 = tpu.memref_squeeze %dma_start3A_65 : memref<1x32xi32, #tpu.memory_space<vmem>> -> memref<32xi32, #tpu.memory_space<vmem>>
        %dma_start3A_67 = arith.constant 0 : i32
        %dma_start3A_68 = arith.constant 0 : i32
        %dma_start3A_69 = tpu.memref_slice %arg17[%dma_start3A_67, %dma_start3A_68] : memref<10240x128xf32, #tpu.memory_space<vmem_shared>> -> memref<10240x128xf32, #tpu.memory_space<vmem_shared>>
        tpu.enqueue_indirect_dma source(%arg9 : memref<32x128xf32, #tpu.memory_space<vmem>>) target(%dma_start3A_69 : memref<10240x128xf32, #tpu.memory_space<vmem_shared>>) offsets(%dma_start3A_66 : memref<32xi32, #tpu.memory_space<vmem>>) semaphore(%arg26 : memref<!tpu.dma_semaphore, #tpu.memory_space<semaphore_mem>>) {add = true}
        %dma_start3A_70 = arith.constant 6 : i32
        %dma_start3A_71 = arith.constant 0 : i32
        %dma_start3A_72 = tpu.memref_slice %arg7[%dma_start3A_70, %dma_start3A_71] : memref<40x32xi32, #tpu.memory_space<vmem>> -> memref<1x32xi32, #tpu.memory_space<vmem>>
        %dma_start3A_73 = tpu.memref_squeeze %dma_start3A_72 : memref<1x32xi32, #tpu.memory_space<vmem>> -> memref<32xi32, #tpu.memory_space<vmem>>
        %dma_start3A_74 = arith.constant 0 : i32
        %dma_start3A_75 = arith.constant 0 : i32
        %dma_start3A_76 = tpu.memref_slice %arg2[%dma_start3A_74, %dma_start3A_75] : memref<10240x128xf32, #tpu.memory_space<hbm>> -> memref<10240x128xf32, #tpu.memory_space<hbm>>
        tpu.enqueue_indirect_dma source(%dma_start3A_76 : memref<10240x128xf32, #tpu.memory_space<hbm>>) target(%arg15 : memref<32x128xf32, #tpu.memory_space<vmem>>) offsets(%dma_start3A_73 : memref<32xi32, #tpu.memory_space<vmem>>) semaphore(%arg24 : memref<!tpu.dma_semaphore, #tpu.memory_space<semaphore_mem>>)
        %dma_wait3A_77 = arith.constant 1 : i32
        %dma_wait3A_78 = arith.constant 0 : i32
        %dma_wait3A_79 = tpu.memref_slice %arg7[%dma_wait3A_77, %dma_wait3A_78] : memref<40x32xi32, #tpu.memory_space<vmem>> -> memref<1x32xi32, #tpu.memory_space<vmem>>
        %dma_wait3A_80 = tpu.memref_squeeze %dma_wait3A_79 : memref<1x32xi32, #tpu.memory_space<vmem>> -> memref<32xi32, #tpu.memory_space<vmem>>
        %dma_wait3A_81 = arith.constant 0 : i32
        %dma_wait3A_82 = arith.constant 0 : i32
        %dma_wait3A_83 = tpu.memref_slice %arg2[%dma_wait3A_81, %dma_wait3A_82] : memref<10240x128xf32, #tpu.memory_space<hbm>> -> memref<10240x128xf32, #tpu.memory_space<hbm>>
        tpu.wait_indirect_dma semaphore(%arg19 : memref<!tpu.dma_semaphore, #tpu.memory_space<semaphore_mem>>) src(%dma_wait3A_83 : memref<10240x128xf32, #tpu.memory_space<hbm>>) dst(%arg10 : memref<32x128xf32, #tpu.memory_space<vmem>>)
        %dma_start3A_84 = arith.constant 1 : i32
        %dma_start3A_85 = arith.constant 0 : i32
        %dma_start3A_86 = tpu.memref_slice %arg8[%dma_start3A_84, %dma_start3A_85] : memref<40x32xi32, #tpu.memory_space<vmem>> -> memref<1x32xi32, #tpu.memory_space<vmem>>
        %dma_start3A_87 = tpu.memref_squeeze %dma_start3A_86 : memref<1x32xi32, #tpu.memory_space<vmem>> -> memref<32xi32, #tpu.memory_space<vmem>>
        %dma_start3A_88 = arith.constant 0 : i32
        %dma_start3A_89 = arith.constant 0 : i32
        %dma_start3A_90 = tpu.memref_slice %arg17[%dma_start3A_88, %dma_start3A_89] : memref<10240x128xf32, #tpu.memory_space<vmem_shared>> -> memref<10240x128xf32, #tpu.memory_space<vmem_shared>>
        tpu.enqueue_indirect_dma source(%arg10 : memref<32x128xf32, #tpu.memory_space<vmem>>) target(%dma_start3A_90 : memref<10240x128xf32, #tpu.memory_space<vmem_shared>>) offsets(%dma_start3A_87 : memref<32xi32, #tpu.memory_space<vmem>>) semaphore(%arg27 : memref<!tpu.dma_semaphore, #tpu.memory_space<semaphore_mem>>) {add = true}
        %dma_start3A_91 = arith.constant 7 : i32
        %dma_start3A_92 = arith.constant 0 : i32
        %dma_start3A_93 = tpu.memref_slice %arg7[%dma_start3A_91, %dma_start3A_92] : memref<40x32xi32, #tpu.memory_space<vmem>> -> memref<1x32xi32, #tpu.memory_space<vmem>>
        %dma_start3A_94 = tpu.memref_squeeze %dma_start3A_93 : memref<1x32xi32, #tpu.memory_space<vmem>> -> memref<32xi32, #tpu.memory_space<vmem>>
        %dma_start3A_95 = arith.constant 0 : i32
        %dma_start3A_96 = arith.constant 0 : i32
        %dma_start3A_97 = tpu.memref_slice %arg2[%dma_start3A_95, %dma_start3A_96] : memref<10240x128xf32, #tpu.memory_space<hbm>> -> memref<10240x128xf32, #tpu.memory_space<hbm>>
        tpu.enqueue_indirect_dma source(%dma_start3A_97 : memref<10240x128xf32, #tpu.memory_space<hbm>>) target(%arg16 : memref<32x128xf32, #tpu.memory_space<vmem>>) offsets(%dma_start3A_94 : memref<32xi32, #tpu.memory_space<vmem>>) semaphore(%arg25 : memref<!tpu.dma_semaphore, #tpu.memory_space<semaphore_mem>>)
        %scan3A_98 = arith.constant 0 : i32
        %scan3A_99 = arith.constant 4 : i32
        %scan3A_100 = arith.addi %scan3A_98, %scan3A_99 : i32
        %scan3A_101 = arith.constant 1 : i32
        scf.for %scan3A_243 = %scan3A_98 to %scan3A_100 step %scan3A_101  : i32 {
          %mul3A_244 = arith.constant 8 : i32
          %mul3A_245 = arith.muli %scan3A_243, %mul3A_244 : i32
          %add3A_246 = arith.constant 2 : i32
          %add3A_247 = arith.addi %add3A_246, %mul3A_245 : i32
          %add3A_248 = arith.constant 0 : i32
          %add3A_249 = arith.addi %add3A_247, %add3A_248 : i32
          %dma_wait3A_250 = arith.constant 0 : i32
          %dma_wait3A_251 = tpu.memref_slice %arg7[%add3A_249, %dma_wait3A_250] : memref<40x32xi32, #tpu.memory_space<vmem>> -> memref<1x32xi32, #tpu.memory_space<vmem>>
          %dma_wait3A_252 = tpu.memref_squeeze %dma_wait3A_251 : memref<1x32xi32, #tpu.memory_space<vmem>> -> memref<32xi32, #tpu.memory_space<vmem>>
          %dma_wait3A_253 = arith.constant 0 : i32
          %dma_wait3A_254 = arith.constant 0 : i32
          %dma_wait3A_255 = tpu.memref_slice %arg2[%dma_wait3A_253, %dma_wait3A_254] : memref<10240x128xf32, #tpu.memory_space<hbm>> -> memref<10240x128xf32, #tpu.memory_space<hbm>>
          tpu.wait_indirect_dma semaphore(%arg20 : memref<!tpu.dma_semaphore, #tpu.memory_space<semaphore_mem>>) src(%dma_wait3A_255 : memref<10240x128xf32, #tpu.memory_space<hbm>>) dst(%arg11 : memref<32x128xf32, #tpu.memory_space<vmem>>)
          %dma_start3A_256 = arith.constant 0 : i32
          %dma_start3A_257 = tpu.memref_slice %arg8[%add3A_249, %dma_start3A_256] : memref<40x32xi32, #tpu.memory_space<vmem>> -> memref<1x32xi32, #tpu.memory_space<vmem>>
          %dma_start3A_258 = tpu.memref_squeeze %dma_start3A_257 : memref<1x32xi32, #tpu.memory_space<vmem>> -> memref<32xi32, #tpu.memory_space<vmem>>
          %dma_start3A_259 = arith.constant 0 : i32
          %dma_start3A_260 = arith.constant 0 : i32
          %dma_start3A_261 = tpu.memref_slice %arg17[%dma_start3A_259, %dma_start3A_260] : memref<10240x128xf32, #tpu.memory_space<vmem_shared>> -> memref<10240x128xf32, #tpu.memory_space<vmem_shared>>
          tpu.enqueue_indirect_dma source(%arg11 : memref<32x128xf32, #tpu.memory_space<vmem>>) target(%dma_start3A_261 : memref<10240x128xf32, #tpu.memory_space<vmem_shared>>) offsets(%dma_start3A_258 : memref<32xi32, #tpu.memory_space<vmem>>) semaphore(%arg28 : memref<!tpu.dma_semaphore, #tpu.memory_space<semaphore_mem>>) {add = true}
          %sub3A = arith.constant 2 : i32
          %sub3A_262 = arith.subi %add3A_249, %sub3A : i32
          %dma_wait3A_263 = arith.constant 0 : i32
          %dma_wait3A_264 = tpu.memref_slice %arg8[%sub3A_262, %dma_wait3A_263] : memref<40x32xi32, #tpu.memory_space<vmem>> -> memref<1x32xi32, #tpu.memory_space<vmem>>
          %dma_wait3A_265 = tpu.memref_squeeze %dma_wait3A_264 : memref<1x32xi32, #tpu.memory_space<vmem>> -> memref<32xi32, #tpu.memory_space<vmem>>
          %dma_wait3A_266 = arith.constant 0 : i32
          %dma_wait3A_267 = arith.constant 0 : i32
          %dma_wait3A_268 = tpu.memref_slice %arg17[%dma_wait3A_266, %dma_wait3A_267] : memref<10240x128xf32, #tpu.memory_space<vmem_shared>> -> memref<10240x128xf32, #tpu.memory_space<vmem_shared>>
          tpu.wait_indirect_dma semaphore(%arg26 : memref<!tpu.dma_semaphore, #tpu.memory_space<semaphore_mem>>) src(%arg9 : memref<32x128xf32, #tpu.memory_space<vmem>>) dst(%dma_wait3A_268 : memref<10240x128xf32, #tpu.memory_space<vmem_shared>>)
          %add3A_269 = arith.constant 6 : i32
          %add3A_270 = arith.addi %add3A_249, %add3A_269 : i32
          %dma_start3A_271 = arith.constant 0 : i32
          %dma_start3A_272 = tpu.memref_slice %arg7[%add3A_270, %dma_start3A_271] : memref<40x32xi32, #tpu.memory_space<vmem>> -> memref<1x32xi32, #tpu.memory_space<vmem>>
          %dma_start3A_273 = tpu.memref_squeeze %dma_start3A_272 : memref<1x32xi32, #tpu.memory_space<vmem>> -> memref<32xi32, #tpu.memory_space<vmem>>
          %dma_start3A_274 = arith.constant 0 : i32
          %dma_start3A_275 = arith.constant 0 : i32
          %dma_start3A_276 = tpu.memref_slice %arg2[%dma_start3A_274, %dma_start3A_275] : memref<10240x128xf32, #tpu.memory_space<hbm>> -> memref<10240x128xf32, #tpu.memory_space<hbm>>
          tpu.enqueue_indirect_dma source(%dma_start3A_276 : memref<10240x128xf32, #tpu.memory_space<hbm>>) target(%arg9 : memref<32x128xf32, #tpu.memory_space<vmem>>) offsets(%dma_start3A_273 : memref<32xi32, #tpu.memory_space<vmem>>) semaphore(%arg18 : memref<!tpu.dma_semaphore, #tpu.memory_space<semaphore_mem>>)
          %add3A_277 = arith.constant 1 : i32
          %add3A_278 = arith.addi %add3A_247, %add3A_277 : i32
          %dma_wait3A_279 = arith.constant 0 : i32
          %dma_wait3A_280 = tpu.memref_slice %arg7[%add3A_278, %dma_wait3A_279] : memref<40x32xi32, #tpu.memory_space<vmem>> -> memref<1x32xi32, #tpu.memory_space<vmem>>
          %dma_wait3A_281 = tpu.memref_squeeze %dma_wait3A_280 : memref<1x32xi32, #tpu.memory_space<vmem>> -> memref<32xi32, #tpu.memory_space<vmem>>
          %dma_wait3A_282 = arith.constant 0 : i32
          %dma_wait3A_283 = arith.constant 0 : i32
          %dma_wait3A_284 = tpu.memref_slice %arg2[%dma_wait3A_282, %dma_wait3A_283] : memref<10240x128xf32, #tpu.memory_space<hbm>> -> memref<10240x128xf32, #tpu.memory_space<hbm>>
          tpu.wait_indirect_dma semaphore(%arg21 : memref<!tpu.dma_semaphore, #tpu.memory_space<semaphore_mem>>) src(%dma_wait3A_284 : memref<10240x128xf32, #tpu.memory_space<hbm>>) dst(%arg12 : memref<32x128xf32, #tpu.memory_space<vmem>>)
          %dma_start3A_285 = arith.constant 0 : i32
          %dma_start3A_286 = tpu.memref_slice %arg8[%add3A_278, %dma_start3A_285] : memref<40x32xi32, #tpu.memory_space<vmem>> -> memref<1x32xi32, #tpu.memory_space<vmem>>
          %dma_start3A_287 = tpu.memref_squeeze %dma_start3A_286 : memref<1x32xi32, #tpu.memory_space<vmem>> -> memref<32xi32, #tpu.memory_space<vmem>>
          %dma_start3A_288 = arith.constant 0 : i32
          %dma_start3A_289 = arith.constant 0 : i32
          %dma_start3A_290 = tpu.memref_slice %arg17[%dma_start3A_288, %dma_start3A_289] : memref<10240x128xf32, #tpu.memory_space<vmem_shared>> -> memref<10240x128xf32, #tpu.memory_space<vmem_shared>>
          tpu.enqueue_indirect_dma source(%arg12 : memref<32x128xf32, #tpu.memory_space<vmem>>) target(%dma_start3A_290 : memref<10240x128xf32, #tpu.memory_space<vmem_shared>>) offsets(%dma_start3A_287 : memref<32xi32, #tpu.memory_space<vmem>>) semaphore(%arg29 : memref<!tpu.dma_semaphore, #tpu.memory_space<semaphore_mem>>) {add = true}
          %sub3A_291 = arith.constant 2 : i32
          %sub3A_292 = arith.subi %add3A_278, %sub3A_291 : i32
          %dma_wait3A_293 = arith.constant 0 : i32
          %dma_wait3A_294 = tpu.memref_slice %arg8[%sub3A_292, %dma_wait3A_293] : memref<40x32xi32, #tpu.memory_space<vmem>> -> memref<1x32xi32, #tpu.memory_space<vmem>>
          %dma_wait3A_295 = tpu.memref_squeeze %dma_wait3A_294 : memref<1x32xi32, #tpu.memory_space<vmem>> -> memref<32xi32, #tpu.memory_space<vmem>>
          %dma_wait3A_296 = arith.constant 0 : i32
          %dma_wait3A_297 = arith.constant 0 : i32
          %dma_wait3A_298 = tpu.memref_slice %arg17[%dma_wait3A_296, %dma_wait3A_297] : memref<10240x128xf32, #tpu.memory_space<vmem_shared>> -> memref<10240x128xf32, #tpu.memory_space<vmem_shared>>
          tpu.wait_indirect_dma semaphore(%arg27 : memref<!tpu.dma_semaphore, #tpu.memory_space<semaphore_mem>>) src(%arg10 : memref<32x128xf32, #tpu.memory_space<vmem>>) dst(%dma_wait3A_298 : memref<10240x128xf32, #tpu.memory_space<vmem_shared>>)
          %add3A_299 = arith.constant 6 : i32
          %add3A_300 = arith.addi %add3A_278, %add3A_299 : i32
          %dma_start3A_301 = arith.constant 0 : i32
          %dma_start3A_302 = tpu.memref_slice %arg7[%add3A_300, %dma_start3A_301] : memref<40x32xi32, #tpu.memory_space<vmem>> -> memref<1x32xi32, #tpu.memory_space<vmem>>
          %dma_start3A_303 = tpu.memref_squeeze %dma_start3A_302 : memref<1x32xi32, #tpu.memory_space<vmem>> -> memref<32xi32, #tpu.memory_space<vmem>>
          %dma_start3A_304 = arith.constant 0 : i32
          %dma_start3A_305 = arith.constant 0 : i32
          %dma_start3A_306 = tpu.memref_slice %arg2[%dma_start3A_304, %dma_start3A_305] : memref<10240x128xf32, #tpu.memory_space<hbm>> -> memref<10240x128xf32, #tpu.memory_space<hbm>>
          tpu.enqueue_indirect_dma source(%dma_start3A_306 : memref<10240x128xf32, #tpu.memory_space<hbm>>) target(%arg10 : memref<32x128xf32, #tpu.memory_space<vmem>>) offsets(%dma_start3A_303 : memref<32xi32, #tpu.memory_space<vmem>>) semaphore(%arg19 : memref<!tpu.dma_semaphore, #tpu.memory_space<semaphore_mem>>)
          %add3A_307 = arith.constant 2 : i32
          %add3A_308 = arith.addi %add3A_247, %add3A_307 : i32
          %dma_wait3A_309 = arith.constant 0 : i32
          %dma_wait3A_310 = tpu.memref_slice %arg7[%add3A_308, %dma_wait3A_309] : memref<40x32xi32, #tpu.memory_space<vmem>> -> memref<1x32xi32, #tpu.memory_space<vmem>>
          %dma_wait3A_311 = tpu.memref_squeeze %dma_wait3A_310 : memref<1x32xi32, #tpu.memory_space<vmem>> -> memref<32xi32, #tpu.memory_space<vmem>>
          %dma_wait3A_312 = arith.constant 0 : i32
          %dma_wait3A_313 = arith.constant 0 : i32
          %dma_wait3A_314 = tpu.memref_slice %arg2[%dma_wait3A_312, %dma_wait3A_313] : memref<10240x128xf32, #tpu.memory_space<hbm>> -> memref<10240x128xf32, #tpu.memory_space<hbm>>
          tpu.wait_indirect_dma semaphore(%arg22 : memref<!tpu.dma_semaphore, #tpu.memory_space<semaphore_mem>>) src(%dma_wait3A_314 : memref<10240x128xf32, #tpu.memory_space<hbm>>) dst(%arg13 : memref<32x128xf32, #tpu.memory_space<vmem>>)
          %dma_start3A_315 = arith.constant 0 : i32
          %dma_start3A_316 = tpu.memref_slice %arg8[%add3A_308, %dma_start3A_315] : memref<40x32xi32, #tpu.memory_space<vmem>> -> memref<1x32xi32, #tpu.memory_space<vmem>>
          %dma_start3A_317 = tpu.memref_squeeze %dma_start3A_316 : memref<1x32xi32, #tpu.memory_space<vmem>> -> memref<32xi32, #tpu.memory_space<vmem>>
          %dma_start3A_318 = arith.constant 0 : i32
          %dma_start3A_319 = arith.constant 0 : i32
          %dma_start3A_320 = tpu.memref_slice %arg17[%dma_start3A_318, %dma_start3A_319] : memref<10240x128xf32, #tpu.memory_space<vmem_shared>> -> memref<10240x128xf32, #tpu.memory_space<vmem_shared>>
          tpu.enqueue_indirect_dma source(%arg13 : memref<32x128xf32, #tpu.memory_space<vmem>>) target(%dma_start3A_320 : memref<10240x128xf32, #tpu.memory_space<vmem_shared>>) offsets(%dma_start3A_317 : memref<32xi32, #tpu.memory_space<vmem>>) semaphore(%arg30 : memref<!tpu.dma_semaphore, #tpu.memory_space<semaphore_mem>>) {add = true}
          %sub3A_321 = arith.constant 2 : i32
          %sub3A_322 = arith.subi %add3A_308, %sub3A_321 : i32
          %dma_wait3A_323 = arith.constant 0 : i32
          %dma_wait3A_324 = tpu.memref_slice %arg8[%sub3A_322, %dma_wait3A_323] : memref<40x32xi32, #tpu.memory_space<vmem>> -> memref<1x32xi32, #tpu.memory_space<vmem>>
          %dma_wait3A_325 = tpu.memref_squeeze %dma_wait3A_324 : memref<1x32xi32, #tpu.memory_space<vmem>> -> memref<32xi32, #tpu.memory_space<vmem>>
          %dma_wait3A_326 = arith.constant 0 : i32
          %dma_wait3A_327 = arith.constant 0 : i32
          %dma_wait3A_328 = tpu.memref_slice %arg17[%dma_wait3A_326, %dma_wait3A_327] : memref<10240x128xf32, #tpu.memory_space<vmem_shared>> -> memref<10240x128xf32, #tpu.memory_space<vmem_shared>>
          tpu.wait_indirect_dma semaphore(%arg28 : memref<!tpu.dma_semaphore, #tpu.memory_space<semaphore_mem>>) src(%arg11 : memref<32x128xf32, #tpu.memory_space<vmem>>) dst(%dma_wait3A_328 : memref<10240x128xf32, #tpu.memory_space<vmem_shared>>)
          %add3A_329 = arith.constant 6 : i32
          %add3A_330 = arith.addi %add3A_308, %add3A_329 : i32
          %dma_start3A_331 = arith.constant 0 : i32
          %dma_start3A_332 = tpu.memref_slice %arg7[%add3A_330, %dma_start3A_331] : memref<40x32xi32, #tpu.memory_space<vmem>> -> memref<1x32xi32, #tpu.memory_space<vmem>>
          %dma_start3A_333 = tpu.memref_squeeze %dma_start3A_332 : memref<1x32xi32, #tpu.memory_space<vmem>> -> memref<32xi32, #tpu.memory_space<vmem>>
          %dma_start3A_334 = arith.constant 0 : i32
          %dma_start3A_335 = arith.constant 0 : i32
          %dma_start3A_336 = tpu.memref_slice %arg2[%dma_start3A_334, %dma_start3A_335] : memref<10240x128xf32, #tpu.memory_space<hbm>> -> memref<10240x128xf32, #tpu.memory_space<hbm>>
          tpu.enqueue_indirect_dma source(%dma_start3A_336 : memref<10240x128xf32, #tpu.memory_space<hbm>>) target(%arg11 : memref<32x128xf32, #tpu.memory_space<vmem>>) offsets(%dma_start3A_333 : memref<32xi32, #tpu.memory_space<vmem>>) semaphore(%arg20 : memref<!tpu.dma_semaphore, #tpu.memory_space<semaphore_mem>>)
          %add3A_337 = arith.constant 3 : i32
          %add3A_338 = arith.addi %add3A_247, %add3A_337 : i32
          %dma_wait3A_339 = arith.constant 0 : i32
          %dma_wait3A_340 = tpu.memref_slice %arg7[%add3A_338, %dma_wait3A_339] : memref<40x32xi32, #tpu.memory_space<vmem>> -> memref<1x32xi32, #tpu.memory_space<vmem>>
          %dma_wait3A_341 = tpu.memref_squeeze %dma_wait3A_340 : memref<1x32xi32, #tpu.memory_space<vmem>> -> memref<32xi32, #tpu.memory_space<vmem>>
          %dma_wait3A_342 = arith.constant 0 : i32
          %dma_wait3A_343 = arith.constant 0 : i32
          %dma_wait3A_344 = tpu.memref_slice %arg2[%dma_wait3A_342, %dma_wait3A_343] : memref<10240x128xf32, #tpu.memory_space<hbm>> -> memref<10240x128xf32, #tpu.memory_space<hbm>>
          tpu.wait_indirect_dma semaphore(%arg23 : memref<!tpu.dma_semaphore, #tpu.memory_space<semaphore_mem>>) src(%dma_wait3A_344 : memref<10240x128xf32, #tpu.memory_space<hbm>>) dst(%arg14 : memref<32x128xf32, #tpu.memory_space<vmem>>)
          %dma_start3A_345 = arith.constant 0 : i32
          %dma_start3A_346 = tpu.memref_slice %arg8[%add3A_338, %dma_start3A_345] : memref<40x32xi32, #tpu.memory_space<vmem>> -> memref<1x32xi32, #tpu.memory_space<vmem>>
          %dma_start3A_347 = tpu.memref_squeeze %dma_start3A_346 : memref<1x32xi32, #tpu.memory_space<vmem>> -> memref<32xi32, #tpu.memory_space<vmem>>
          %dma_start3A_348 = arith.constant 0 : i32
          %dma_start3A_349 = arith.constant 0 : i32
          %dma_start3A_350 = tpu.memref_slice %arg17[%dma_start3A_348, %dma_start3A_349] : memref<10240x128xf32, #tpu.memory_space<vmem_shared>> -> memref<10240x128xf32, #tpu.memory_space<vmem_shared>>
          tpu.enqueue_indirect_dma source(%arg14 : memref<32x128xf32, #tpu.memory_space<vmem>>) target(%dma_start3A_350 : memref<10240x128xf32, #tpu.memory_space<vmem_shared>>) offsets(%dma_start3A_347 : memref<32xi32, #tpu.memory_space<vmem>>) semaphore(%arg31 : memref<!tpu.dma_semaphore, #tpu.memory_space<semaphore_mem>>) {add = true}
          %sub3A_351 = arith.constant 2 : i32
          %sub3A_352 = arith.subi %add3A_338, %sub3A_351 : i32
          %dma_wait3A_353 = arith.constant 0 : i32
          %dma_wait3A_354 = tpu.memref_slice %arg8[%sub3A_352, %dma_wait3A_353] : memref<40x32xi32, #tpu.memory_space<vmem>> -> memref<1x32xi32, #tpu.memory_space<vmem>>
          %dma_wait3A_355 = tpu.memref_squeeze %dma_wait3A_354 : memref<1x32xi32, #tpu.memory_space<vmem>> -> memref<32xi32, #tpu.memory_space<vmem>>
          %dma_wait3A_356 = arith.constant 0 : i32
          %dma_wait3A_357 = arith.constant 0 : i32
          %dma_wait3A_358 = tpu.memref_slice %arg17[%dma_wait3A_356, %dma_wait3A_357] : memref<10240x128xf32, #tpu.memory_space<vmem_shared>> -> memref<10240x128xf32, #tpu.memory_space<vmem_shared>>
          tpu.wait_indirect_dma semaphore(%arg29 : memref<!tpu.dma_semaphore, #tpu.memory_space<semaphore_mem>>) src(%arg12 : memref<32x128xf32, #tpu.memory_space<vmem>>) dst(%dma_wait3A_358 : memref<10240x128xf32, #tpu.memory_space<vmem_shared>>)
          %add3A_359 = arith.constant 6 : i32
          %add3A_360 = arith.addi %add3A_338, %add3A_359 : i32
          %dma_start3A_361 = arith.constant 0 : i32
          %dma_start3A_362 = tpu.memref_slice %arg7[%add3A_360, %dma_start3A_361] : memref<40x32xi32, #tpu.memory_space<vmem>> -> memref<1x32xi32, #tpu.memory_space<vmem>>
          %dma_start3A_363 = tpu.memref_squeeze %dma_start3A_362 : memref<1x32xi32, #tpu.memory_space<vmem>> -> memref<32xi32, #tpu.memory_space<vmem>>
          %dma_start3A_364 = arith.constant 0 : i32
          %dma_start3A_365 = arith.constant 0 : i32
          %dma_start3A_366 = tpu.memref_slice %arg2[%dma_start3A_364, %dma_start3A_365] : memref<10240x128xf32, #tpu.memory_space<hbm>> -> memref<10240x128xf32, #tpu.memory_space<hbm>>
          tpu.enqueue_indirect_dma source(%dma_start3A_366 : memref<10240x128xf32, #tpu.memory_space<hbm>>) target(%arg12 : memref<32x128xf32, #tpu.memory_space<vmem>>) offsets(%dma_start3A_363 : memref<32xi32, #tpu.memory_space<vmem>>) semaphore(%arg21 : memref<!tpu.dma_semaphore, #tpu.memory_space<semaphore_mem>>)
          %add3A_367 = arith.constant 4 : i32
          %add3A_368 = arith.addi %add3A_247, %add3A_367 : i32
          %dma_wait3A_369 = arith.constant 0 : i32
          %dma_wait3A_370 = tpu.memref_slice %arg7[%add3A_368, %dma_wait3A_369] : memref<40x32xi32, #tpu.memory_space<vmem>> -> memref<1x32xi32, #tpu.memory_space<vmem>>
          %dma_wait3A_371 = tpu.memref_squeeze %dma_wait3A_370 : memref<1x32xi32, #tpu.memory_space<vmem>> -> memref<32xi32, #tpu.memory_space<vmem>>
          %dma_wait3A_372 = arith.constant 0 : i32
          %dma_wait3A_373 = arith.constant 0 : i32
          %dma_wait3A_374 = tpu.memref_slice %arg2[%dma_wait3A_372, %dma_wait3A_373] : memref<10240x128xf32, #tpu.memory_space<hbm>> -> memref<10240x128xf32, #tpu.memory_space<hbm>>
          tpu.wait_indirect_dma semaphore(%arg24 : memref<!tpu.dma_semaphore, #tpu.memory_space<semaphore_mem>>) src(%dma_wait3A_374 : memref<10240x128xf32, #tpu.memory_space<hbm>>) dst(%arg15 : memref<32x128xf32, #tpu.memory_space<vmem>>)
          %dma_start3A_375 = arith.constant 0 : i32
          %dma_start3A_376 = tpu.memref_slice %arg8[%add3A_368, %dma_start3A_375] : memref<40x32xi32, #tpu.memory_space<vmem>> -> memref<1x32xi32, #tpu.memory_space<vmem>>
          %dma_start3A_377 = tpu.memref_squeeze %dma_start3A_376 : memref<1x32xi32, #tpu.memory_space<vmem>> -> memref<32xi32, #tpu.memory_space<vmem>>
          %dma_start3A_378 = arith.constant 0 : i32
          %dma_start3A_379 = arith.constant 0 : i32
          %dma_start3A_380 = tpu.memref_slice %arg17[%dma_start3A_378, %dma_start3A_379] : memref<10240x128xf32, #tpu.memory_space<vmem_shared>> -> memref<10240x128xf32, #tpu.memory_space<vmem_shared>>
          tpu.enqueue_indirect_dma source(%arg15 : memref<32x128xf32, #tpu.memory_space<vmem>>) target(%dma_start3A_380 : memref<10240x128xf32, #tpu.memory_space<vmem_shared>>) offsets(%dma_start3A_377 : memref<32xi32, #tpu.memory_space<vmem>>) semaphore(%arg32 : memref<!tpu.dma_semaphore, #tpu.memory_space<semaphore_mem>>) {add = true}
          %sub3A_381 = arith.constant 2 : i32
          %sub3A_382 = arith.subi %add3A_368, %sub3A_381 : i32
          %dma_wait3A_383 = arith.constant 0 : i32
          %dma_wait3A_384 = tpu.memref_slice %arg8[%sub3A_382, %dma_wait3A_383] : memref<40x32xi32, #tpu.memory_space<vmem>> -> memref<1x32xi32, #tpu.memory_space<vmem>>
          %dma_wait3A_385 = tpu.memref_squeeze %dma_wait3A_384 : memref<1x32xi32, #tpu.memory_space<vmem>> -> memref<32xi32, #tpu.memory_space<vmem>>
          %dma_wait3A_386 = arith.constant 0 : i32
          %dma_wait3A_387 = arith.constant 0 : i32
          %dma_wait3A_388 = tpu.memref_slice %arg17[%dma_wait3A_386, %dma_wait3A_387] : memref<10240x128xf32, #tpu.memory_space<vmem_shared>> -> memref<10240x128xf32, #tpu.memory_space<vmem_shared>>
          tpu.wait_indirect_dma semaphore(%arg30 : memref<!tpu.dma_semaphore, #tpu.memory_space<semaphore_mem>>) src(%arg13 : memref<32x128xf32, #tpu.memory_space<vmem>>) dst(%dma_wait3A_388 : memref<10240x128xf32, #tpu.memory_space<vmem_shared>>)
          %add3A_389 = arith.constant 6 : i32
          %add3A_390 = arith.addi %add3A_368, %add3A_389 : i32
          %dma_start3A_391 = arith.constant 0 : i32
          %dma_start3A_392 = tpu.memref_slice %arg7[%add3A_390, %dma_start3A_391] : memref<40x32xi32, #tpu.memory_space<vmem>> -> memref<1x32xi32, #tpu.memory_space<vmem>>
          %dma_start3A_393 = tpu.memref_squeeze %dma_start3A_392 : memref<1x32xi32, #tpu.memory_space<vmem>> -> memref<32xi32, #tpu.memory_space<vmem>>
          %dma_start3A_394 = arith.constant 0 : i32
          %dma_start3A_395 = arith.constant 0 : i32
          %dma_start3A_396 = tpu.memref_slice %arg2[%dma_start3A_394, %dma_start3A_395] : memref<10240x128xf32, #tpu.memory_space<hbm>> -> memref<10240x128xf32, #tpu.memory_space<hbm>>
          tpu.enqueue_indirect_dma source(%dma_start3A_396 : memref<10240x128xf32, #tpu.memory_space<hbm>>) target(%arg13 : memref<32x128xf32, #tpu.memory_space<vmem>>) offsets(%dma_start3A_393 : memref<32xi32, #tpu.memory_space<vmem>>) semaphore(%arg22 : memref<!tpu.dma_semaphore, #tpu.memory_space<semaphore_mem>>)
          %add3A_397 = arith.constant 5 : i32
          %add3A_398 = arith.addi %add3A_247, %add3A_397 : i32
          %dma_wait3A_399 = arith.constant 0 : i32
          %dma_wait3A_400 = tpu.memref_slice %arg7[%add3A_398, %dma_wait3A_399] : memref<40x32xi32, #tpu.memory_space<vmem>> -> memref<1x32xi32, #tpu.memory_space<vmem>>
          %dma_wait3A_401 = tpu.memref_squeeze %dma_wait3A_400 : memref<1x32xi32, #tpu.memory_space<vmem>> -> memref<32xi32, #tpu.memory_space<vmem>>
          %dma_wait3A_402 = arith.constant 0 : i32
          %dma_wait3A_403 = arith.constant 0 : i32
          %dma_wait3A_404 = tpu.memref_slice %arg2[%dma_wait3A_402, %dma_wait3A_403] : memref<10240x128xf32, #tpu.memory_space<hbm>> -> memref<10240x128xf32, #tpu.memory_space<hbm>>
          tpu.wait_indirect_dma semaphore(%arg25 : memref<!tpu.dma_semaphore, #tpu.memory_space<semaphore_mem>>) src(%dma_wait3A_404 : memref<10240x128xf32, #tpu.memory_space<hbm>>) dst(%arg16 : memref<32x128xf32, #tpu.memory_space<vmem>>)
          %dma_start3A_405 = arith.constant 0 : i32
          %dma_start3A_406 = tpu.memref_slice %arg8[%add3A_398, %dma_start3A_405] : memref<40x32xi32, #tpu.memory_space<vmem>> -> memref<1x32xi32, #tpu.memory_space<vmem>>
          %dma_start3A_407 = tpu.memref_squeeze %dma_start3A_406 : memref<1x32xi32, #tpu.memory_space<vmem>> -> memref<32xi32, #tpu.memory_space<vmem>>
          %dma_start3A_408 = arith.constant 0 : i32
          %dma_start3A_409 = arith.constant 0 : i32
          %dma_start3A_410 = tpu.memref_slice %arg17[%dma_start3A_408, %dma_start3A_409] : memref<10240x128xf32, #tpu.memory_space<vmem_shared>> -> memref<10240x128xf32, #tpu.memory_space<vmem_shared>>
          tpu.enqueue_indirect_dma source(%arg16 : memref<32x128xf32, #tpu.memory_space<vmem>>) target(%dma_start3A_410 : memref<10240x128xf32, #tpu.memory_space<vmem_shared>>) offsets(%dma_start3A_407 : memref<32xi32, #tpu.memory_space<vmem>>) semaphore(%arg33 : memref<!tpu.dma_semaphore, #tpu.memory_space<semaphore_mem>>) {add = true}
          %sub3A_411 = arith.constant 2 : i32
          %sub3A_412 = arith.subi %add3A_398, %sub3A_411 : i32
          %dma_wait3A_413 = arith.constant 0 : i32
          %dma_wait3A_414 = tpu.memref_slice %arg8[%sub3A_412, %dma_wait3A_413] : memref<40x32xi32, #tpu.memory_space<vmem>> -> memref<1x32xi32, #tpu.memory_space<vmem>>
          %dma_wait3A_415 = tpu.memref_squeeze %dma_wait3A_414 : memref<1x32xi32, #tpu.memory_space<vmem>> -> memref<32xi32, #tpu.memory_space<vmem>>
          %dma_wait3A_416 = arith.constant 0 : i32
          %dma_wait3A_417 = arith.constant 0 : i32
          %dma_wait3A_418 = tpu.memref_slice %arg17[%dma_wait3A_416, %dma_wait3A_417] : memref<10240x128xf32, #tpu.memory_space<vmem_shared>> -> memref<10240x128xf32, #tpu.memory_space<vmem_shared>>
          tpu.wait_indirect_dma semaphore(%arg31 : memref<!tpu.dma_semaphore, #tpu.memory_space<semaphore_mem>>) src(%arg14 : memref<32x128xf32, #tpu.memory_space<vmem>>) dst(%dma_wait3A_418 : memref<10240x128xf32, #tpu.memory_space<vmem_shared>>)
          %add3A_419 = arith.constant 6 : i32
          %add3A_420 = arith.addi %add3A_398, %add3A_419 : i32
          %dma_start3A_421 = arith.constant 0 : i32
          %dma_start3A_422 = tpu.memref_slice %arg7[%add3A_420, %dma_start3A_421] : memref<40x32xi32, #tpu.memory_space<vmem>> -> memref<1x32xi32, #tpu.memory_space<vmem>>
          %dma_start3A_423 = tpu.memref_squeeze %dma_start3A_422 : memref<1x32xi32, #tpu.memory_space<vmem>> -> memref<32xi32, #tpu.memory_space<vmem>>
          %dma_start3A_424 = arith.constant 0 : i32
          %dma_start3A_425 = arith.constant 0 : i32
          %dma_start3A_426 = tpu.memref_slice %arg2[%dma_start3A_424, %dma_start3A_425] : memref<10240x128xf32, #tpu.memory_space<hbm>> -> memref<10240x128xf32, #tpu.memory_space<hbm>>
          tpu.enqueue_indirect_dma source(%dma_start3A_426 : memref<10240x128xf32, #tpu.memory_space<hbm>>) target(%arg14 : memref<32x128xf32, #tpu.memory_space<vmem>>) offsets(%dma_start3A_423 : memref<32xi32, #tpu.memory_space<vmem>>) semaphore(%arg23 : memref<!tpu.dma_semaphore, #tpu.memory_space<semaphore_mem>>)
          %add3A_427 = arith.constant 6 : i32
          %add3A_428 = arith.addi %add3A_247, %add3A_427 : i32
          %dma_wait3A_429 = arith.constant 0 : i32
          %dma_wait3A_430 = tpu.memref_slice %arg7[%add3A_428, %dma_wait3A_429] : memref<40x32xi32, #tpu.memory_space<vmem>> -> memref<1x32xi32, #tpu.memory_space<vmem>>
          %dma_wait3A_431 = tpu.memref_squeeze %dma_wait3A_430 : memref<1x32xi32, #tpu.memory_space<vmem>> -> memref<32xi32, #tpu.memory_space<vmem>>
          %dma_wait3A_432 = arith.constant 0 : i32
          %dma_wait3A_433 = arith.constant 0 : i32
          %dma_wait3A_434 = tpu.memref_slice %arg2[%dma_wait3A_432, %dma_wait3A_433] : memref<10240x128xf32, #tpu.memory_space<hbm>> -> memref<10240x128xf32, #tpu.memory_space<hbm>>
          tpu.wait_indirect_dma semaphore(%arg18 : memref<!tpu.dma_semaphore, #tpu.memory_space<semaphore_mem>>) src(%dma_wait3A_434 : memref<10240x128xf32, #tpu.memory_space<hbm>>) dst(%arg9 : memref<32x128xf32, #tpu.memory_space<vmem>>)
          %dma_start3A_435 = arith.constant 0 : i32
          %dma_start3A_436 = tpu.memref_slice %arg8[%add3A_428, %dma_start3A_435] : memref<40x32xi32, #tpu.memory_space<vmem>> -> memref<1x32xi32, #tpu.memory_space<vmem>>
          %dma_start3A_437 = tpu.memref_squeeze %dma_start3A_436 : memref<1x32xi32, #tpu.memory_space<vmem>> -> memref<32xi32, #tpu.memory_space<vmem>>
          %dma_start3A_438 = arith.constant 0 : i32
          %dma_start3A_439 = arith.constant 0 : i32
          %dma_start3A_440 = tpu.memref_slice %arg17[%dma_start3A_438, %dma_start3A_439] : memref<10240x128xf32, #tpu.memory_space<vmem_shared>> -> memref<10240x128xf32, #tpu.memory_space<vmem_shared>>
          tpu.enqueue_indirect_dma source(%arg9 : memref<32x128xf32, #tpu.memory_space<vmem>>) target(%dma_start3A_440 : memref<10240x128xf32, #tpu.memory_space<vmem_shared>>) offsets(%dma_start3A_437 : memref<32xi32, #tpu.memory_space<vmem>>) semaphore(%arg26 : memref<!tpu.dma_semaphore, #tpu.memory_space<semaphore_mem>>) {add = true}
          %sub3A_441 = arith.constant 2 : i32
          %sub3A_442 = arith.subi %add3A_428, %sub3A_441 : i32
          %dma_wait3A_443 = arith.constant 0 : i32
          %dma_wait3A_444 = tpu.memref_slice %arg8[%sub3A_442, %dma_wait3A_443] : memref<40x32xi32, #tpu.memory_space<vmem>> -> memref<1x32xi32, #tpu.memory_space<vmem>>
          %dma_wait3A_445 = tpu.memref_squeeze %dma_wait3A_444 : memref<1x32xi32, #tpu.memory_space<vmem>> -> memref<32xi32, #tpu.memory_space<vmem>>
          %dma_wait3A_446 = arith.constant 0 : i32
          %dma_wait3A_447 = arith.constant 0 : i32
          %dma_wait3A_448 = tpu.memref_slice %arg17[%dma_wait3A_446, %dma_wait3A_447] : memref<10240x128xf32, #tpu.memory_space<vmem_shared>> -> memref<10240x128xf32, #tpu.memory_space<vmem_shared>>
          tpu.wait_indirect_dma semaphore(%arg32 : memref<!tpu.dma_semaphore, #tpu.memory_space<semaphore_mem>>) src(%arg15 : memref<32x128xf32, #tpu.memory_space<vmem>>) dst(%dma_wait3A_448 : memref<10240x128xf32, #tpu.memory_space<vmem_shared>>)
          %add3A_449 = arith.constant 6 : i32
          %add3A_450 = arith.addi %add3A_428, %add3A_449 : i32
          %dma_start3A_451 = arith.constant 0 : i32
          %dma_start3A_452 = tpu.memref_slice %arg7[%add3A_450, %dma_start3A_451] : memref<40x32xi32, #tpu.memory_space<vmem>> -> memref<1x32xi32, #tpu.memory_space<vmem>>
          %dma_start3A_453 = tpu.memref_squeeze %dma_start3A_452 : memref<1x32xi32, #tpu.memory_space<vmem>> -> memref<32xi32, #tpu.memory_space<vmem>>
          %dma_start3A_454 = arith.constant 0 : i32
          %dma_start3A_455 = arith.constant 0 : i32
          %dma_start3A_456 = tpu.memref_slice %arg2[%dma_start3A_454, %dma_start3A_455] : memref<10240x128xf32, #tpu.memory_space<hbm>> -> memref<10240x128xf32, #tpu.memory_space<hbm>>
          tpu.enqueue_indirect_dma source(%dma_start3A_456 : memref<10240x128xf32, #tpu.memory_space<hbm>>) target(%arg15 : memref<32x128xf32, #tpu.memory_space<vmem>>) offsets(%dma_start3A_453 : memref<32xi32, #tpu.memory_space<vmem>>) semaphore(%arg24 : memref<!tpu.dma_semaphore, #tpu.memory_space<semaphore_mem>>)
          %add3A_457 = arith.constant 7 : i32
          %add3A_458 = arith.addi %add3A_247, %add3A_457 : i32
          %dma_wait3A_459 = arith.constant 0 : i32
          %dma_wait3A_460 = tpu.memref_slice %arg7[%add3A_458, %dma_wait3A_459] : memref<40x32xi32, #tpu.memory_space<vmem>> -> memref<1x32xi32, #tpu.memory_space<vmem>>
          %dma_wait3A_461 = tpu.memref_squeeze %dma_wait3A_460 : memref<1x32xi32, #tpu.memory_space<vmem>> -> memref<32xi32, #tpu.memory_space<vmem>>
          %dma_wait3A_462 = arith.constant 0 : i32
          %dma_wait3A_463 = arith.constant 0 : i32
          %dma_wait3A_464 = tpu.memref_slice %arg2[%dma_wait3A_462, %dma_wait3A_463] : memref<10240x128xf32, #tpu.memory_space<hbm>> -> memref<10240x128xf32, #tpu.memory_space<hbm>>
          tpu.wait_indirect_dma semaphore(%arg19 : memref<!tpu.dma_semaphore, #tpu.memory_space<semaphore_mem>>) src(%dma_wait3A_464 : memref<10240x128xf32, #tpu.memory_space<hbm>>) dst(%arg10 : memref<32x128xf32, #tpu.memory_space<vmem>>)
          %dma_start3A_465 = arith.constant 0 : i32
          %dma_start3A_466 = tpu.memref_slice %arg8[%add3A_458, %dma_start3A_465] : memref<40x32xi32, #tpu.memory_space<vmem>> -> memref<1x32xi32, #tpu.memory_space<vmem>>
          %dma_start3A_467 = tpu.memref_squeeze %dma_start3A_466 : memref<1x32xi32, #tpu.memory_space<vmem>> -> memref<32xi32, #tpu.memory_space<vmem>>
          %dma_start3A_468 = arith.constant 0 : i32
          %dma_start3A_469 = arith.constant 0 : i32
          %dma_start3A_470 = tpu.memref_slice %arg17[%dma_start3A_468, %dma_start3A_469] : memref<10240x128xf32, #tpu.memory_space<vmem_shared>> -> memref<10240x128xf32, #tpu.memory_space<vmem_shared>>
          tpu.enqueue_indirect_dma source(%arg10 : memref<32x128xf32, #tpu.memory_space<vmem>>) target(%dma_start3A_470 : memref<10240x128xf32, #tpu.memory_space<vmem_shared>>) offsets(%dma_start3A_467 : memref<32xi32, #tpu.memory_space<vmem>>) semaphore(%arg27 : memref<!tpu.dma_semaphore, #tpu.memory_space<semaphore_mem>>) {add = true}
          %sub3A_471 = arith.constant 2 : i32
          %sub3A_472 = arith.subi %add3A_458, %sub3A_471 : i32
          %dma_wait3A_473 = arith.constant 0 : i32
          %dma_wait3A_474 = tpu.memref_slice %arg8[%sub3A_472, %dma_wait3A_473] : memref<40x32xi32, #tpu.memory_space<vmem>> -> memref<1x32xi32, #tpu.memory_space<vmem>>
          %dma_wait3A_475 = tpu.memref_squeeze %dma_wait3A_474 : memref<1x32xi32, #tpu.memory_space<vmem>> -> memref<32xi32, #tpu.memory_space<vmem>>
          %dma_wait3A_476 = arith.constant 0 : i32
          %dma_wait3A_477 = arith.constant 0 : i32
          %dma_wait3A_478 = tpu.memref_slice %arg17[%dma_wait3A_476, %dma_wait3A_477] : memref<10240x128xf32, #tpu.memory_space<vmem_shared>> -> memref<10240x128xf32, #tpu.memory_space<vmem_shared>>
          tpu.wait_indirect_dma semaphore(%arg33 : memref<!tpu.dma_semaphore, #tpu.memory_space<semaphore_mem>>) src(%arg16 : memref<32x128xf32, #tpu.memory_space<vmem>>) dst(%dma_wait3A_478 : memref<10240x128xf32, #tpu.memory_space<vmem_shared>>)
          %add3A_479 = arith.constant 6 : i32
          %add3A_480 = arith.addi %add3A_458, %add3A_479 : i32
          %dma_start3A_481 = arith.constant 0 : i32
          %dma_start3A_482 = tpu.memref_slice %arg7[%add3A_480, %dma_start3A_481] : memref<40x32xi32, #tpu.memory_space<vmem>> -> memref<1x32xi32, #tpu.memory_space<vmem>>
          %dma_start3A_483 = tpu.memref_squeeze %dma_start3A_482 : memref<1x32xi32, #tpu.memory_space<vmem>> -> memref<32xi32, #tpu.memory_space<vmem>>
          %dma_start3A_484 = arith.constant 0 : i32
          %dma_start3A_485 = arith.constant 0 : i32
          %dma_start3A_486 = tpu.memref_slice %arg2[%dma_start3A_484, %dma_start3A_485] : memref<10240x128xf32, #tpu.memory_space<hbm>> -> memref<10240x128xf32, #tpu.memory_space<hbm>>
          tpu.enqueue_indirect_dma source(%dma_start3A_486 : memref<10240x128xf32, #tpu.memory_space<hbm>>) target(%arg16 : memref<32x128xf32, #tpu.memory_space<vmem>>) offsets(%dma_start3A_483 : memref<32xi32, #tpu.memory_space<vmem>>) semaphore(%arg25 : memref<!tpu.dma_semaphore, #tpu.memory_space<semaphore_mem>>)
        }
        %scan3A_102 = arith.constant 4 : i32
        %dma_wait3A_103 = arith.constant 34 : i32
        %dma_wait3A_104 = arith.constant 0 : i32
        %dma_wait3A_105 = tpu.memref_slice %arg7[%dma_wait3A_103, %dma_wait3A_104] : memref<40x32xi32, #tpu.memory_space<vmem>> -> memref<1x32xi32, #tpu.memory_space<vmem>>
        %dma_wait3A_106 = tpu.memref_squeeze %dma_wait3A_105 : memref<1x32xi32, #tpu.memory_space<vmem>> -> memref<32xi32, #tpu.memory_space<vmem>>
        %dma_wait3A_107 = arith.constant 0 : i32
        %dma_wait3A_108 = arith.constant 0 : i32
        %dma_wait3A_109 = tpu.memref_slice %arg2[%dma_wait3A_107, %dma_wait3A_108] : memref<10240x128xf32, #tpu.memory_space<hbm>> -> memref<10240x128xf32, #tpu.memory_space<hbm>>
        tpu.wait_indirect_dma semaphore(%arg20 : memref<!tpu.dma_semaphore, #tpu.memory_space<semaphore_mem>>) src(%dma_wait3A_109 : memref<10240x128xf32, #tpu.memory_space<hbm>>) dst(%arg11 : memref<32x128xf32, #tpu.memory_space<vmem>>)
        %dma_start3A_110 = arith.constant 34 : i32
        %dma_start3A_111 = arith.constant 0 : i32
        %dma_start3A_112 = tpu.memref_slice %arg8[%dma_start3A_110, %dma_start3A_111] : memref<40x32xi32, #tpu.memory_space<vmem>> -> memref<1x32xi32, #tpu.memory_space<vmem>>
        %dma_start3A_113 = tpu.memref_squeeze %dma_start3A_112 : memref<1x32xi32, #tpu.memory_space<vmem>> -> memref<32xi32, #tpu.memory_space<vmem>>
        %dma_start3A_114 = arith.constant 0 : i32
        %dma_start3A_115 = arith.constant 0 : i32
        %dma_start3A_116 = tpu.memref_slice %arg17[%dma_start3A_114, %dma_start3A_115] : memref<10240x128xf32, #tpu.memory_space<vmem_shared>> -> memref<10240x128xf32, #tpu.memory_space<vmem_shared>>
        tpu.enqueue_indirect_dma source(%arg11 : memref<32x128xf32, #tpu.memory_space<vmem>>) target(%dma_start3A_116 : memref<10240x128xf32, #tpu.memory_space<vmem_shared>>) offsets(%dma_start3A_113 : memref<32xi32, #tpu.memory_space<vmem>>) semaphore(%arg28 : memref<!tpu.dma_semaphore, #tpu.memory_space<semaphore_mem>>) {add = true}
        %dma_wait3A_117 = arith.constant 32 : i32
        %dma_wait3A_118 = arith.constant 0 : i32
        %dma_wait3A_119 = tpu.memref_slice %arg8[%dma_wait3A_117, %dma_wait3A_118] : memref<40x32xi32, #tpu.memory_space<vmem>> -> memref<1x32xi32, #tpu.memory_space<vmem>>
        %dma_wait3A_120 = tpu.memref_squeeze %dma_wait3A_119 : memref<1x32xi32, #tpu.memory_space<vmem>> -> memref<32xi32, #tpu.memory_space<vmem>>
        %dma_wait3A_121 = arith.constant 0 : i32
        %dma_wait3A_122 = arith.constant 0 : i32
        %dma_wait3A_123 = tpu.memref_slice %arg17[%dma_wait3A_121, %dma_wait3A_122] : memref<10240x128xf32, #tpu.memory_space<vmem_shared>> -> memref<10240x128xf32, #tpu.memory_space<vmem_shared>>
        tpu.wait_indirect_dma semaphore(%arg26 : memref<!tpu.dma_semaphore, #tpu.memory_space<semaphore_mem>>) src(%arg9 : memref<32x128xf32, #tpu.memory_space<vmem>>) dst(%dma_wait3A_123 : memref<10240x128xf32, #tpu.memory_space<vmem_shared>>)
        %dma_wait3A_124 = arith.constant 35 : i32
        %dma_wait3A_125 = arith.constant 0 : i32
        %dma_wait3A_126 = tpu.memref_slice %arg7[%dma_wait3A_124, %dma_wait3A_125] : memref<40x32xi32, #tpu.memory_space<vmem>> -> memref<1x32xi32, #tpu.memory_space<vmem>>
        %dma_wait3A_127 = tpu.memref_squeeze %dma_wait3A_126 : memref<1x32xi32, #tpu.memory_space<vmem>> -> memref<32xi32, #tpu.memory_space<vmem>>
        %dma_wait3A_128 = arith.constant 0 : i32
        %dma_wait3A_129 = arith.constant 0 : i32
        %dma_wait3A_130 = tpu.memref_slice %arg2[%dma_wait3A_128, %dma_wait3A_129] : memref<10240x128xf32, #tpu.memory_space<hbm>> -> memref<10240x128xf32, #tpu.memory_space<hbm>>
        tpu.wait_indirect_dma semaphore(%arg21 : memref<!tpu.dma_semaphore, #tpu.memory_space<semaphore_mem>>) src(%dma_wait3A_130 : memref<10240x128xf32, #tpu.memory_space<hbm>>) dst(%arg12 : memref<32x128xf32, #tpu.memory_space<vmem>>)
        %dma_start3A_131 = arith.constant 35 : i32
        %dma_start3A_132 = arith.constant 0 : i32
        %dma_start3A_133 = tpu.memref_slice %arg8[%dma_start3A_131, %dma_start3A_132] : memref<40x32xi32, #tpu.memory_space<vmem>> -> memref<1x32xi32, #tpu.memory_space<vmem>>
        %dma_start3A_134 = tpu.memref_squeeze %dma_start3A_133 : memref<1x32xi32, #tpu.memory_space<vmem>> -> memref<32xi32, #tpu.memory_space<vmem>>
        %dma_start3A_135 = arith.constant 0 : i32
        %dma_start3A_136 = arith.constant 0 : i32
        %dma_start3A_137 = tpu.memref_slice %arg17[%dma_start3A_135, %dma_start3A_136] : memref<10240x128xf32, #tpu.memory_space<vmem_shared>> -> memref<10240x128xf32, #tpu.memory_space<vmem_shared>>
        tpu.enqueue_indirect_dma source(%arg12 : memref<32x128xf32, #tpu.memory_space<vmem>>) target(%dma_start3A_137 : memref<10240x128xf32, #tpu.memory_space<vmem_shared>>) offsets(%dma_start3A_134 : memref<32xi32, #tpu.memory_space<vmem>>) semaphore(%arg29 : memref<!tpu.dma_semaphore, #tpu.memory_space<semaphore_mem>>) {add = true}
        %dma_wait3A_138 = arith.constant 33 : i32
        %dma_wait3A_139 = arith.constant 0 : i32
        %dma_wait3A_140 = tpu.memref_slice %arg8[%dma_wait3A_138, %dma_wait3A_139] : memref<40x32xi32, #tpu.memory_space<vmem>> -> memref<1x32xi32, #tpu.memory_space<vmem>>
        %dma_wait3A_141 = tpu.memref_squeeze %dma_wait3A_140 : memref<1x32xi32, #tpu.memory_space<vmem>> -> memref<32xi32, #tpu.memory_space<vmem>>
        %dma_wait3A_142 = arith.constant 0 : i32
        %dma_wait3A_143 = arith.constant 0 : i32
        %dma_wait3A_144 = tpu.memref_slice %arg17[%dma_wait3A_142, %dma_wait3A_143] : memref<10240x128xf32, #tpu.memory_space<vmem_shared>> -> memref<10240x128xf32, #tpu.memory_space<vmem_shared>>
        tpu.wait_indirect_dma semaphore(%arg27 : memref<!tpu.dma_semaphore, #tpu.memory_space<semaphore_mem>>) src(%arg10 : memref<32x128xf32, #tpu.memory_space<vmem>>) dst(%dma_wait3A_144 : memref<10240x128xf32, #tpu.memory_space<vmem_shared>>)
        %dma_wait3A_145 = arith.constant 36 : i32
        %dma_wait3A_146 = arith.constant 0 : i32
        %dma_wait3A_147 = tpu.memref_slice %arg7[%dma_wait3A_145, %dma_wait3A_146] : memref<40x32xi32, #tpu.memory_space<vmem>> -> memref<1x32xi32, #tpu.memory_space<vmem>>
        %dma_wait3A_148 = tpu.memref_squeeze %dma_wait3A_147 : memref<1x32xi32, #tpu.memory_space<vmem>> -> memref<32xi32, #tpu.memory_space<vmem>>
        %dma_wait3A_149 = arith.constant 0 : i32
        %dma_wait3A_150 = arith.constant 0 : i32
        %dma_wait3A_151 = tpu.memref_slice %arg2[%dma_wait3A_149, %dma_wait3A_150] : memref<10240x128xf32, #tpu.memory_space<hbm>> -> memref<10240x128xf32, #tpu.memory_space<hbm>>
        tpu.wait_indirect_dma semaphore(%arg22 : memref<!tpu.dma_semaphore, #tpu.memory_space<semaphore_mem>>) src(%dma_wait3A_151 : memref<10240x128xf32, #tpu.memory_space<hbm>>) dst(%arg13 : memref<32x128xf32, #tpu.memory_space<vmem>>)
        %dma_start3A_152 = arith.constant 36 : i32
        %dma_start3A_153 = arith.constant 0 : i32
        %dma_start3A_154 = tpu.memref_slice %arg8[%dma_start3A_152, %dma_start3A_153] : memref<40x32xi32, #tpu.memory_space<vmem>> -> memref<1x32xi32, #tpu.memory_space<vmem>>
        %dma_start3A_155 = tpu.memref_squeeze %dma_start3A_154 : memref<1x32xi32, #tpu.memory_space<vmem>> -> memref<32xi32, #tpu.memory_space<vmem>>
        %dma_start3A_156 = arith.constant 0 : i32
        %dma_start3A_157 = arith.constant 0 : i32
        %dma_start3A_158 = tpu.memref_slice %arg17[%dma_start3A_156, %dma_start3A_157] : memref<10240x128xf32, #tpu.memory_space<vmem_shared>> -> memref<10240x128xf32, #tpu.memory_space<vmem_shared>>
        tpu.enqueue_indirect_dma source(%arg13 : memref<32x128xf32, #tpu.memory_space<vmem>>) target(%dma_start3A_158 : memref<10240x128xf32, #tpu.memory_space<vmem_shared>>) offsets(%dma_start3A_155 : memref<32xi32, #tpu.memory_space<vmem>>) semaphore(%arg30 : memref<!tpu.dma_semaphore, #tpu.memory_space<semaphore_mem>>) {add = true}
        %dma_wait3A_159 = arith.constant 34 : i32
        %dma_wait3A_160 = arith.constant 0 : i32
        %dma_wait3A_161 = tpu.memref_slice %arg8[%dma_wait3A_159, %dma_wait3A_160] : memref<40x32xi32, #tpu.memory_space<vmem>> -> memref<1x32xi32, #tpu.memory_space<vmem>>
        %dma_wait3A_162 = tpu.memref_squeeze %dma_wait3A_161 : memref<1x32xi32, #tpu.memory_space<vmem>> -> memref<32xi32, #tpu.memory_space<vmem>>
        %dma_wait3A_163 = arith.constant 0 : i32
        %dma_wait3A_164 = arith.constant 0 : i32
        %dma_wait3A_165 = tpu.memref_slice %arg17[%dma_wait3A_163, %dma_wait3A_164] : memref<10240x128xf32, #tpu.memory_space<vmem_shared>> -> memref<10240x128xf32, #tpu.memory_space<vmem_shared>>
        tpu.wait_indirect_dma semaphore(%arg28 : memref<!tpu.dma_semaphore, #tpu.memory_space<semaphore_mem>>) src(%arg11 : memref<32x128xf32, #tpu.memory_space<vmem>>) dst(%dma_wait3A_165 : memref<10240x128xf32, #tpu.memory_space<vmem_shared>>)
        %dma_wait3A_166 = arith.constant 37 : i32
        %dma_wait3A_167 = arith.constant 0 : i32
        %dma_wait3A_168 = tpu.memref_slice %arg7[%dma_wait3A_166, %dma_wait3A_167] : memref<40x32xi32, #tpu.memory_space<vmem>> -> memref<1x32xi32, #tpu.memory_space<vmem>>
        %dma_wait3A_169 = tpu.memref_squeeze %dma_wait3A_168 : memref<1x32xi32, #tpu.memory_space<vmem>> -> memref<32xi32, #tpu.memory_space<vmem>>
        %dma_wait3A_170 = arith.constant 0 : i32
        %dma_wait3A_171 = arith.constant 0 : i32
        %dma_wait3A_172 = tpu.memref_slice %arg2[%dma_wait3A_170, %dma_wait3A_171] : memref<10240x128xf32, #tpu.memory_space<hbm>> -> memref<10240x128xf32, #tpu.memory_space<hbm>>
        tpu.wait_indirect_dma semaphore(%arg23 : memref<!tpu.dma_semaphore, #tpu.memory_space<semaphore_mem>>) src(%dma_wait3A_172 : memref<10240x128xf32, #tpu.memory_space<hbm>>) dst(%arg14 : memref<32x128xf32, #tpu.memory_space<vmem>>)
        %dma_start3A_173 = arith.constant 37 : i32
        %dma_start3A_174 = arith.constant 0 : i32
        %dma_start3A_175 = tpu.memref_slice %arg8[%dma_start3A_173, %dma_start3A_174] : memref<40x32xi32, #tpu.memory_space<vmem>> -> memref<1x32xi32, #tpu.memory_space<vmem>>
        %dma_start3A_176 = tpu.memref_squeeze %dma_start3A_175 : memref<1x32xi32, #tpu.memory_space<vmem>> -> memref<32xi32, #tpu.memory_space<vmem>>
        %dma_start3A_177 = arith.constant 0 : i32
        %dma_start3A_178 = arith.constant 0 : i32
        %dma_start3A_179 = tpu.memref_slice %arg17[%dma_start3A_177, %dma_start3A_178] : memref<10240x128xf32, #tpu.memory_space<vmem_shared>> -> memref<10240x128xf32, #tpu.memory_space<vmem_shared>>
        tpu.enqueue_indirect_dma source(%arg14 : memref<32x128xf32, #tpu.memory_space<vmem>>) target(%dma_start3A_179 : memref<10240x128xf32, #tpu.memory_space<vmem_shared>>) offsets(%dma_start3A_176 : memref<32xi32, #tpu.memory_space<vmem>>) semaphore(%arg31 : memref<!tpu.dma_semaphore, #tpu.memory_space<semaphore_mem>>) {add = true}
        %dma_wait3A_180 = arith.constant 35 : i32
        %dma_wait3A_181 = arith.constant 0 : i32
        %dma_wait3A_182 = tpu.memref_slice %arg8[%dma_wait3A_180, %dma_wait3A_181] : memref<40x32xi32, #tpu.memory_space<vmem>> -> memref<1x32xi32, #tpu.memory_space<vmem>>
        %dma_wait3A_183 = tpu.memref_squeeze %dma_wait3A_182 : memref<1x32xi32, #tpu.memory_space<vmem>> -> memref<32xi32, #tpu.memory_space<vmem>>
        %dma_wait3A_184 = arith.constant 0 : i32
        %dma_wait3A_185 = arith.constant 0 : i32
        %dma_wait3A_186 = tpu.memref_slice %arg17[%dma_wait3A_184, %dma_wait3A_185] : memref<10240x128xf32, #tpu.memory_space<vmem_shared>> -> memref<10240x128xf32, #tpu.memory_space<vmem_shared>>
        tpu.wait_indirect_dma semaphore(%arg29 : memref<!tpu.dma_semaphore, #tpu.memory_space<semaphore_mem>>) src(%arg12 : memref<32x128xf32, #tpu.memory_space<vmem>>) dst(%dma_wait3A_186 : memref<10240x128xf32, #tpu.memory_space<vmem_shared>>)
        %dma_wait3A_187 = arith.constant 38 : i32
        %dma_wait3A_188 = arith.constant 0 : i32
        %dma_wait3A_189 = tpu.memref_slice %arg7[%dma_wait3A_187, %dma_wait3A_188] : memref<40x32xi32, #tpu.memory_space<vmem>> -> memref<1x32xi32, #tpu.memory_space<vmem>>
        %dma_wait3A_190 = tpu.memref_squeeze %dma_wait3A_189 : memref<1x32xi32, #tpu.memory_space<vmem>> -> memref<32xi32, #tpu.memory_space<vmem>>
        %dma_wait3A_191 = arith.constant 0 : i32
        %dma_wait3A_192 = arith.constant 0 : i32
        %dma_wait3A_193 = tpu.memref_slice %arg2[%dma_wait3A_191, %dma_wait3A_192] : memref<10240x128xf32, #tpu.memory_space<hbm>> -> memref<10240x128xf32, #tpu.memory_space<hbm>>
        tpu.wait_indirect_dma semaphore(%arg24 : memref<!tpu.dma_semaphore, #tpu.memory_space<semaphore_mem>>) src(%dma_wait3A_193 : memref<10240x128xf32, #tpu.memory_space<hbm>>) dst(%arg15 : memref<32x128xf32, #tpu.memory_space<vmem>>)
        %dma_start3A_194 = arith.constant 38 : i32
        %dma_start3A_195 = arith.constant 0 : i32
        %dma_start3A_196 = tpu.memref_slice %arg8[%dma_start3A_194, %dma_start3A_195] : memref<40x32xi32, #tpu.memory_space<vmem>> -> memref<1x32xi32, #tpu.memory_space<vmem>>
        %dma_start3A_197 = tpu.memref_squeeze %dma_start3A_196 : memref<1x32xi32, #tpu.memory_space<vmem>> -> memref<32xi32, #tpu.memory_space<vmem>>
        %dma_start3A_198 = arith.constant 0 : i32
        %dma_start3A_199 = arith.constant 0 : i32
        %dma_start3A_200 = tpu.memref_slice %arg17[%dma_start3A_198, %dma_start3A_199] : memref<10240x128xf32, #tpu.memory_space<vmem_shared>> -> memref<10240x128xf32, #tpu.memory_space<vmem_shared>>
        tpu.enqueue_indirect_dma source(%arg15 : memref<32x128xf32, #tpu.memory_space<vmem>>) target(%dma_start3A_200 : memref<10240x128xf32, #tpu.memory_space<vmem_shared>>) offsets(%dma_start3A_197 : memref<32xi32, #tpu.memory_space<vmem>>) semaphore(%arg32 : memref<!tpu.dma_semaphore, #tpu.memory_space<semaphore_mem>>) {add = true}
        %dma_wait3A_201 = arith.constant 36 : i32
        %dma_wait3A_202 = arith.constant 0 : i32
        %dma_wait3A_203 = tpu.memref_slice %arg8[%dma_wait3A_201, %dma_wait3A_202] : memref<40x32xi32, #tpu.memory_space<vmem>> -> memref<1x32xi32, #tpu.memory_space<vmem>>
        %dma_wait3A_204 = tpu.memref_squeeze %dma_wait3A_203 : memref<1x32xi32, #tpu.memory_space<vmem>> -> memref<32xi32, #tpu.memory_space<vmem>>
        %dma_wait3A_205 = arith.constant 0 : i32
        %dma_wait3A_206 = arith.constant 0 : i32
        %dma_wait3A_207 = tpu.memref_slice %arg17[%dma_wait3A_205, %dma_wait3A_206] : memref<10240x128xf32, #tpu.memory_space<vmem_shared>> -> memref<10240x128xf32, #tpu.memory_space<vmem_shared>>
        tpu.wait_indirect_dma semaphore(%arg30 : memref<!tpu.dma_semaphore, #tpu.memory_space<semaphore_mem>>) src(%arg13 : memref<32x128xf32, #tpu.memory_space<vmem>>) dst(%dma_wait3A_207 : memref<10240x128xf32, #tpu.memory_space<vmem_shared>>)
        %dma_wait3A_208 = arith.constant 39 : i32
        %dma_wait3A_209 = arith.constant 0 : i32
        %dma_wait3A_210 = tpu.memref_slice %arg7[%dma_wait3A_208, %dma_wait3A_209] : memref<40x32xi32, #tpu.memory_space<vmem>> -> memref<1x32xi32, #tpu.memory_space<vmem>>
        %dma_wait3A_211 = tpu.memref_squeeze %dma_wait3A_210 : memref<1x32xi32, #tpu.memory_space<vmem>> -> memref<32xi32, #tpu.memory_space<vmem>>
        %dma_wait3A_212 = arith.constant 0 : i32
        %dma_wait3A_213 = arith.constant 0 : i32
        %dma_wait3A_214 = tpu.memref_slice %arg2[%dma_wait3A_212, %dma_wait3A_213] : memref<10240x128xf32, #tpu.memory_space<hbm>> -> memref<10240x128xf32, #tpu.memory_space<hbm>>
        tpu.wait_indirect_dma semaphore(%arg25 : memref<!tpu.dma_semaphore, #tpu.memory_space<semaphore_mem>>) src(%dma_wait3A_214 : memref<10240x128xf32, #tpu.memory_space<hbm>>) dst(%arg16 : memref<32x128xf32, #tpu.memory_space<vmem>>)
        %dma_start3A_215 = arith.constant 39 : i32
        %dma_start3A_216 = arith.constant 0 : i32
        %dma_start3A_217 = tpu.memref_slice %arg8[%dma_start3A_215, %dma_start3A_216] : memref<40x32xi32, #tpu.memory_space<vmem>> -> memref<1x32xi32, #tpu.memory_space<vmem>>
        %dma_start3A_218 = tpu.memref_squeeze %dma_start3A_217 : memref<1x32xi32, #tpu.memory_space<vmem>> -> memref<32xi32, #tpu.memory_space<vmem>>
        %dma_start3A_219 = arith.constant 0 : i32
        %dma_start3A_220 = arith.constant 0 : i32
        %dma_start3A_221 = tpu.memref_slice %arg17[%dma_start3A_219, %dma_start3A_220] : memref<10240x128xf32, #tpu.memory_space<vmem_shared>> -> memref<10240x128xf32, #tpu.memory_space<vmem_shared>>
        tpu.enqueue_indirect_dma source(%arg16 : memref<32x128xf32, #tpu.memory_space<vmem>>) target(%dma_start3A_221 : memref<10240x128xf32, #tpu.memory_space<vmem_shared>>) offsets(%dma_start3A_218 : memref<32xi32, #tpu.memory_space<vmem>>) semaphore(%arg33 : memref<!tpu.dma_semaphore, #tpu.memory_space<semaphore_mem>>) {add = true}
        %dma_wait3A_222 = arith.constant 37 : i32
        %dma_wait3A_223 = arith.constant 0 : i32
        %dma_wait3A_224 = tpu.memref_slice %arg8[%dma_wait3A_222, %dma_wait3A_223] : memref<40x32xi32, #tpu.memory_space<vmem>> -> memref<1x32xi32, #tpu.memory_space<vmem>>
        %dma_wait3A_225 = tpu.memref_squeeze %dma_wait3A_224 : memref<1x32xi32, #tpu.memory_space<vmem>> -> memref<32xi32, #tpu.memory_space<vmem>>
        %dma_wait3A_226 = arith.constant 0 : i32
        %dma_wait3A_227 = arith.constant 0 : i32
        %dma_wait3A_228 = tpu.memref_slice %arg17[%dma_wait3A_226, %dma_wait3A_227] : memref<10240x128xf32, #tpu.memory_space<vmem_shared>> -> memref<10240x128xf32, #tpu.memory_space<vmem_shared>>
        tpu.wait_indirect_dma semaphore(%arg31 : memref<!tpu.dma_semaphore, #tpu.memory_space<semaphore_mem>>) src(%arg14 : memref<32x128xf32, #tpu.memory_space<vmem>>) dst(%dma_wait3A_228 : memref<10240x128xf32, #tpu.memory_space<vmem_shared>>)
        %dma_wait3A_229 = arith.constant 38 : i32
        %dma_wait3A_230 = arith.constant 0 : i32
        %dma_wait3A_231 = tpu.memref_slice %arg8[%dma_wait3A_229, %dma_wait3A_230] : memref<40x32xi32, #tpu.memory_space<vmem>> -> memref<1x32xi32, #tpu.memory_space<vmem>>
        %dma_wait3A_232 = tpu.memref_squeeze %dma_wait3A_231 : memref<1x32xi32, #tpu.memory_space<vmem>> -> memref<32xi32, #tpu.memory_space<vmem>>
        %dma_wait3A_233 = arith.constant 0 : i32
        %dma_wait3A_234 = arith.constant 0 : i32
        %dma_wait3A_235 = tpu.memref_slice %arg17[%dma_wait3A_233, %dma_wait3A_234] : memref<10240x128xf32, #tpu.memory_space<vmem_shared>> -> memref<10240x128xf32, #tpu.memory_space<vmem_shared>>
        tpu.wait_indirect_dma semaphore(%arg32 : memref<!tpu.dma_semaphore, #tpu.memory_space<semaphore_mem>>) src(%arg15 : memref<32x128xf32, #tpu.memory_space<vmem>>) dst(%dma_wait3A_235 : memref<10240x128xf32, #tpu.memory_space<vmem_shared>>)
        %dma_wait3A_236 = arith.constant 39 : i32
        %dma_wait3A_237 = arith.constant 0 : i32
        %dma_wait3A_238 = tpu.memref_slice %arg8[%dma_wait3A_236, %dma_wait3A_237] : memref<40x32xi32, #tpu.memory_space<vmem>> -> memref<1x32xi32, #tpu.memory_space<vmem>>
        %dma_wait3A_239 = tpu.memref_squeeze %dma_wait3A_238 : memref<1x32xi32, #tpu.memory_space<vmem>> -> memref<32xi32, #tpu.memory_space<vmem>>
        %dma_wait3A_240 = arith.constant 0 : i32
        %dma_wait3A_241 = arith.constant 0 : i32
        %dma_wait3A_242 = tpu.memref_slice %arg17[%dma_wait3A_240, %dma_wait3A_241] : memref<10240x128xf32, #tpu.memory_space<vmem_shared>> -> memref<10240x128xf32, #tpu.memory_space<vmem_shared>>
        tpu.wait_indirect_dma semaphore(%arg33 : memref<!tpu.dma_semaphore, #tpu.memory_space<semaphore_mem>>) src(%arg16 : memref<32x128xf32, #tpu.memory_space<vmem>>) dst(%dma_wait3A_242 : memref<10240x128xf32, #tpu.memory_space<vmem_shared>>)
      } else {
      }
    }
    %scan3A_8 = arith.constant 12 : i32
    %barrier3A_9 = arith.constant 0 : index
    tpu.barrier barrier_id(%barrier3A_9)
    "tpu.region"() ({
      %run_scoped3A = tpu.sem_alloc : memref<!tpu.dma_semaphore, #tpu.memory_space<semaphore_mem>>
      %dma_start3A = arith.constant 0 : i32
      %dma_start3A_10 = tpu.memref_slice %arg6[%arg0, %mul3A_4, %dma_start3A] : memref<2x10240x128xf32, #tpu.memory_space<hbm>> -> memref<1x640x128xf32, #tpu.memory_space<hbm>>
      %dma_start3A_11 = tpu.memref_squeeze %dma_start3A_10 : memref<1x640x128xf32, #tpu.memory_space<hbm>> -> memref<640x128xf32, #tpu.memory_space<hbm>>
      %dma_start3A_12 = arith.constant 0 : i32
      %dma_start3A_13 = tpu.memref_slice %arg17[%mul3A_4, %dma_start3A_12] : memref<10240x128xf32, #tpu.memory_space<vmem_shared>> -> memref<640x128xf32, #tpu.memory_space<vmem_shared>>
      tpu.enqueue_dma source(%dma_start3A_13 : memref<640x128xf32, #tpu.memory_space<vmem_shared>>) target(%dma_start3A_11 : memref<640x128xf32, #tpu.memory_space<hbm>>) target_semaphore(%run_scoped3A : memref<!tpu.dma_semaphore, #tpu.memory_space<semaphore_mem>>)
      %dma_wait3A = arith.constant 0 : i32
      %dma_wait3A_14 = tpu.memref_slice %arg6[%arg0, %mul3A_4, %dma_wait3A] : memref<2x10240x128xf32, #tpu.memory_space<hbm>> -> memref<1x640x128xf32, #tpu.memory_space<hbm>>
      %dma_wait3A_15 = tpu.memref_squeeze %dma_wait3A_14 : memref<1x640x128xf32, #tpu.memory_space<hbm>> -> memref<640x128xf32, #tpu.memory_space<hbm>>
      %dma_wait3A_16 = arith.constant 0 : i32
      %dma_wait3A_17 = tpu.memref_slice %arg17[%mul3A_4, %dma_wait3A_16] : memref<10240x128xf32, #tpu.memory_space<vmem_shared>> -> memref<640x128xf32, #tpu.memory_space<vmem_shared>>
      tpu.wait_dma2 semaphore(%run_scoped3A : memref<!tpu.dma_semaphore, #tpu.memory_space<semaphore_mem>>) src(%dma_wait3A_17 : memref<640x128xf32, #tpu.memory_space<vmem_shared>>) dst(%dma_wait3A_15 : memref<640x128xf32, #tpu.memory_space<hbm>>)
      tpu.yield
    }) : () -> ()
    return
  }
}

module attributes {stable_mosaic.version = 14 : i64} {
  func.func @body(%arg0: i32, %arg1: memref<512x128xf32, #tpu.memory_space<vmem>>, %arg2: memref<128x128xf32, #tpu.memory_space<vmem>>, %arg3: memref<512x128xf32, #tpu.memory_space<vmem>>) attributes {dimension_semantics = [#tpu.dimension_semantics<arbitrary>], iteration_bounds = array<i64: 20>, scalar_prefetch = 0 : i64, scratch_operands = 0 : i64, tpu.core_type = #tpu.core_type<tc>, window_params = [{transform_indices = @transform_0, window_bounds = array<i64: 512, 128>}, {pipeline_mode = #tpu.pipeline_mode<synchronous>, transform_indices = @transform_1, window_bounds = array<i64: 128, 128>}, {transform_indices = @transform_2, window_bounds = array<i64: 512, 128>}]} {
    %get3A = arith.constant 0 : index
    %get3A_0 = arith.constant 0 : index
    %get3A_1 = vector.load %arg1[%get3A, %get3A_0] : memref<512x128xf32, #tpu.memory_space<vmem>>, vector<512x128xf32>
    %get3A_2 = arith.constant 0 : index
    %get3A_3 = arith.constant 0 : index
    %get3A_4 = vector.load %arg2[%get3A_2, %get3A_3] : memref<128x128xf32, #tpu.memory_space<vmem>>, vector<128x128xf32>
    %dot_general3A = arith.constant dense<0.000000e+00> : vector<512x128xf32>
    %dot_general3A_5 = tpu.matmul %get3A_1, %get3A_4, %dot_general3A {dimension_numbers = #tpu.dot_dimension_numbers<[1], [0], [0], [1], [0, 0, 1, 1], [], []>, transpose_lhs_hint = false} : vector<512x128xf32>, vector<128x128xf32>, vector<512x128xf32> -> vector<512x128xf32>
    %swap3A = arith.constant 0 : index
    %swap3A_6 = arith.constant 0 : index
    %swap3A_7 = vector.load %arg3[%swap3A, %swap3A_6] : memref<512x128xf32, #tpu.memory_space<vmem>>, vector<512x128xf32>
    tpu.vector_store %arg3[%swap3A, %swap3A_6], %dot_general3A_5 {strides = array<i32>} : memref<512x128xf32, #tpu.memory_space<vmem>>, vector<512x128xf32>,
    return
  }
  func.func @transform_0(%arg0: i32) -> (i32, i32) {
    %c0_i32 = arith.constant 0 : i32
    %c0_i32_0 = arith.constant 0 : i32
    return %arg0, %c0_i32 : i32, i32
  }
  func.func @transform_1(%arg0: i32) -> (i32, i32) {
    %c0_i32 = arith.constant 0 : i32
    %c0_i32_0 = arith.constant 0 : i32
    %c0_i32_1 = arith.constant 0 : i32
    return %c0_i32, %c0_i32_0 : i32, i32
  }
  func.func @transform_2(%arg0: i32) -> (i32, i32) {
    %c0_i32 = arith.constant 0 : i32
    %c0_i32_0 = arith.constant 0 : i32
    return %arg0, %c0_i32 : i32, i32
  }
}

module attributes {stable_mosaic.version = 14 : i64} {
  func.func @body(%arg0: i32, %arg1: memref<512x128xf32, #tpu.memory_space<vmem>>, %arg2: memref<2x512x128xf32, #tpu.memory_space<vmem>>, %arg3: memref<512x128xf32, #tpu.memory_space<vmem>>) attributes {dimension_semantics = [#tpu.dimension_semantics<arbitrary>], iteration_bounds = array<i64: 20>, scalar_prefetch = 0 : i64, scratch_operands = 0 : i64, tpu.core_type = #tpu.core_type<tc>, window_params = [{transform_indices = @transform_0, window_bounds = array<i64: 512, 128>}, {transform_indices = @transform_1, window_bounds = array<i64: 2, 512, 128>}, {transform_indices = @transform_2, window_bounds = array<i64: 512, 128>}]} {
    %get3A = arith.constant 0 : index
    %get3A_0 = arith.constant 0 : index
    %get3A_1 = arith.constant 0 : index
    %get3A_2 = vector.load %arg2[%get3A, %get3A_0, %get3A_1] : memref<2x512x128xf32, #tpu.memory_space<vmem>>, vector<1x512x1xf32>
    %get3A_3 = vector.shape_cast %get3A_2 : vector<1x512x1xf32> to vector<512x1xf32>
    %add3A = arith.constant 1.000000e+00 : f32
    %add3A_4 = vector.broadcast %add3A : f32 to vector<512x1xf32>
    %add3A_5 = arith.addf %add3A_4, %get3A_3 : vector<512x1xf32>
    %get3A_6 = arith.constant 1 : index
    %get3A_7 = arith.constant 0 : index
    %get3A_8 = arith.constant 0 : index
    %get3A_9 = vector.load %arg2[%get3A_6, %get3A_7, %get3A_8] : memref<2x512x128xf32, #tpu.memory_space<vmem>>, vector<1x512x1xf32>
    %get3A_10 = vector.shape_cast %get3A_9 : vector<1x512x1xf32> to vector<512x1xf32>
    %add3A_11 = arith.addf %add3A_5, %get3A_10 : vector<512x1xf32>
    %get3A_12 = arith.constant 0 : index
    %get3A_13 = arith.constant 0 : index
    %get3A_14 = vector.load %arg1[%get3A_12, %get3A_13] : memref<512x128xf32, #tpu.memory_space<vmem>>, vector<512x128xf32>
    %rsqrt3A = math.rsqrt %add3A_11 : vector<512x1xf32>
    %mul3A = vector.broadcast %rsqrt3A : vector<512x1xf32> to vector<512x128xf32>
    %mul3A_15 = arith.mulf %get3A_14, %mul3A : vector<512x128xf32>
    %swap3A = arith.constant 0 : index
    %swap3A_16 = arith.constant 0 : index
    %swap3A_17 = vector.load %arg3[%swap3A, %swap3A_16] : memref<512x128xf32, #tpu.memory_space<vmem>>, vector<512x128xf32>
    tpu.vector_store %arg3[%swap3A, %swap3A_16], %mul3A_15 {strides = array<i32>} : memref<512x128xf32, #tpu.memory_space<vmem>>, vector<512x128xf32>,
    return
  }
  func.func @transform_0(%arg0: i32) -> (i32, i32) {
    %c0_i32 = arith.constant 0 : i32
    %c0_i32_0 = arith.constant 0 : i32
    return %arg0, %c0_i32 : i32, i32
  }
  func.func @transform_1(%arg0: i32) -> (i32, i32, i32) {
    %c0_i32 = arith.constant 0 : i32
    %c0_i32_0 = arith.constant 0 : i32
    %c0_i32_1 = arith.constant 0 : i32
    return %c0_i32, %arg0, %c0_i32_0 : i32, i32, i32
  }
  func.func @transform_2(%arg0: i32) -> (i32, i32) {
    %c0_i32 = arith.constant 0 : i32
    %c0_i32_0 = arith.constant 0 : i32
    return %arg0, %c0_i32 : i32, i32
  }
}

module attributes {stable_mosaic.version = 14 : i64} {
  func.func @body(%arg0: i32, %arg1: memref<2x512x128xf32, #tpu.memory_space<vmem>>, %arg2: memref<512x128xf32, #tpu.memory_space<vmem>>, %arg3: memref<2x512x128xf32, #tpu.memory_space<vmem>>, %arg4: memref<1x128xf32, #tpu.memory_space<vmem>>, %arg5: memref<512x1xi32, #tpu.memory_space<vmem>>, %arg6: memref<1x1x512xi32, #tpu.memory_space<smem>>, %arg7: memref<128x128xf32, #tpu.memory_space<vmem>>, %arg8: memref<1x128xf32, #tpu.memory_space<vmem>>, %arg9: memref<128x128xf32, #tpu.memory_space<vmem>>, %arg10: memref<128x128xf32, #tpu.memory_space<vmem>>) attributes {dimension_semantics = [#tpu.dimension_semantics<arbitrary>], iteration_bounds = array<i64: 20>, scalar_prefetch = 0 : i64, scratch_operands = 1 : i64, tpu.core_type = #tpu.core_type<tc>, window_params = [{transform_indices = @transform_0, window_bounds = array<i64: 2, 512, 128>}, {transform_indices = @transform_1, window_bounds = array<i64: 512, 128>}, {transform_indices = @transform_2, window_bounds = array<i64: 2, 512, 128>}, {pipeline_mode = #tpu.pipeline_mode<synchronous>, transform_indices = @transform_3, window_bounds = array<i64: 1, 128>}, {transform_indices = @transform_4, window_bounds = array<i64: 512, 1>}, {transform_indices = @transform_5, window_bounds = array<i64: 1, 1, 512>}, {pipeline_mode = #tpu.pipeline_mode<synchronous>, transform_indices = @transform_6, window_bounds = array<i64: 128, 128>}, {pipeline_mode = #tpu.pipeline_mode<synchronous>, transform_indices = @transform_7, window_bounds = array<i64: 1, 128>}, {pipeline_mode = #tpu.pipeline_mode<synchronous>, transform_indices = @transform_8, window_bounds = array<i64: 128, 128>}]} {
    %eq3A = arith.constant 0 : i32
    %eq3A_0 = arith.cmpi eq, %arg0, %eq3A : i32
    %convert_element_type3A = arith.extui %eq3A_0 : i1 to i32
    %cond3A = arith.constant 0 : i32
    %cond3A_1 = arith.cmpi ne, %convert_element_type3A, %cond3A : i32
    scf.if %cond3A_1 {
      %broadcast_in_dim3A = arith.constant 0xFF800000 : f32
      %broadcast_in_dim3A_64 = vector.broadcast %broadcast_in_dim3A : f32 to vector<128x128xf32>
      %swap3A = arith.constant 0 : index
      %swap3A_65 = arith.constant 0 : index
      %swap3A_66 = vector.load %arg10[%swap3A, %swap3A_65] : memref<128x128xf32, #tpu.memory_space<vmem>>, vector<128x128xf32>
      tpu.vector_store %arg10[%swap3A, %swap3A_65], %broadcast_in_dim3A_64 {strides = array<i32>} : memref<128x128xf32, #tpu.memory_space<vmem>>, vector<128x128xf32>,
    } else {
    }
    %get3A = arith.constant 0 : index
    %get3A_2 = arith.constant 0 : index
    %get3A_3 = arith.constant 0 : index
    %get3A_4 = vector.load %arg3[%get3A, %get3A_2, %get3A_3] : memref<2x512x128xf32, #tpu.memory_space<vmem>>, vector<1x512x1xf32>
    %get3A_5 = vector.shape_cast %get3A_4 : vector<1x512x1xf32> to vector<512x1xf32>
    %add3A = arith.constant 1.000000e+00 : f32
    %add3A_6 = vector.broadcast %add3A : f32 to vector<512x1xf32>
    %add3A_7 = arith.addf %add3A_6, %get3A_5 : vector<512x1xf32>
    %get3A_8 = arith.constant 1 : index
    %get3A_9 = arith.constant 0 : index
    %get3A_10 = arith.constant 0 : index
    %get3A_11 = vector.load %arg3[%get3A_8, %get3A_9, %get3A_10] : memref<2x512x128xf32, #tpu.memory_space<vmem>>, vector<1x512x1xf32>
    %get3A_12 = vector.shape_cast %get3A_11 : vector<1x512x1xf32> to vector<512x1xf32>
    %add3A_13 = arith.addf %add3A_7, %get3A_12 : vector<512x1xf32>
    %get3A_14 = arith.constant 0 : index
    %get3A_15 = arith.constant 0 : index
    %get3A_16 = arith.constant 0 : index
    %get3A_17 = vector.load %arg1[%get3A_14, %get3A_15, %get3A_16] : memref<2x512x128xf32, #tpu.memory_space<vmem>>, vector<1x512x128xf32>
    %get3A_18 = vector.shape_cast %get3A_17 : vector<1x512x128xf32> to vector<512x128xf32>
    %get3A_19 = arith.constant 1 : index
    %get3A_20 = arith.constant 0 : index
    %get3A_21 = arith.constant 0 : index
    %get3A_22 = vector.load %arg1[%get3A_19, %get3A_20, %get3A_21] : memref<2x512x128xf32, #tpu.memory_space<vmem>>, vector<1x512x128xf32>
    %get3A_23 = vector.shape_cast %get3A_22 : vector<1x512x128xf32> to vector<512x128xf32>
    %add3A_24 = arith.addf %get3A_18, %get3A_23 : vector<512x128xf32>
    %get3A_25 = arith.constant 0 : index
    %get3A_26 = arith.constant 0 : index
    %get3A_27 = vector.load %arg2[%get3A_25, %get3A_26] : memref<512x128xf32, #tpu.memory_space<vmem>>, vector<512x128xf32>
    %add3A_28 = arith.addf %add3A_24, %get3A_27 : vector<512x128xf32>
    %rsqrt3A = math.rsqrt %add3A_13 : vector<512x1xf32>
    %mul3A = vector.broadcast %rsqrt3A : vector<512x1xf32> to vector<512x128xf32>
    %mul3A_29 = arith.mulf %add3A_28, %mul3A : vector<512x128xf32>
    %get3A_30 = arith.constant 0 : index
    %get3A_31 = arith.constant 0 : index
    %get3A_32 = vector.load %arg4[%get3A_30, %get3A_31] : memref<1x128xf32, #tpu.memory_space<vmem>>, vector<1x128xf32>
    %add3A_33 = vector.broadcast %get3A_32 : vector<1x128xf32> to vector<512x128xf32>
    %add3A_34 = arith.addf %mul3A_29, %add3A_33 : vector<512x128xf32>
    %max3A = arith.constant 0.000000e+00 : f32
    %max3A_35 = vector.broadcast %max3A : f32 to vector<512x128xf32>
    %max3A_36 = arith.maximumf %add3A_34, %max3A_35 : vector<512x128xf32>
    %get3A_37 = arith.constant 0 : index
    %get3A_38 = arith.constant 0 : index
    %get3A_39 = vector.load %arg5[%get3A_37, %get3A_38] : memref<512x1xi32, #tpu.memory_space<vmem>>, vector<512x1xi32>
    %get3A_40 = arith.constant 0 : index
    %get3A_41 = arith.constant 0 : index
    %get3A_42 = arith.constant 0 : index
    %get3A_43 = memref.load %arg6[%get3A_40, %get3A_41, %get3A_42] : memref<1x1x512xi32, #tpu.memory_space<smem>>
    %get3A_44 = arith.constant 0 : index
    %get3A_45 = arith.constant 0 : index
    %get3A_46 = arith.constant 511 : index
    %get3A_47 = memref.load %arg6[%get3A_44, %get3A_45, %get3A_46] : memref<1x1x512xi32, #tpu.memory_space<smem>>
    %min3A = arith.constant 127 : i32
    %min3A_48 = arith.minsi %get3A_47, %min3A : i32
    %add3A_49 = arith.constant 1 : i32
    %add3A_50 = arith.addi %min3A_48, %add3A_49 : i32
    %while3A = arith.constant 0 : i32
    %while3A_51 = arith.subi %add3A_50, %get3A_43 : i32
    %while3A_52 = arith.addi %get3A_43, %while3A_51 : i32
    %while3A_53 = arith.constant 1 : i32
    %while3A_54 = arith.divsi %while3A_51, %while3A_53 : i32
    %while3A_55 = arith.muli %while3A_54, %while3A_53 : i32
    %while3A_56 = arith.addi %get3A_43, %while3A_55 : i32
    %while3A_57 = arith.constant 1 : i32
    scf.for %while3A_64 = %get3A_43 to %while3A_56 step %while3A_57  : i32 {
      %eq3A_65 = vector.broadcast %while3A_64 : i32 to vector<512x1xi32>
      %eq3A_66 = arith.cmpi eq, %get3A_39, %eq3A_65 : vector<512x1xi32>
      %jit3A = arith.constant 0xFF800000 : f32
      %broadcast_in_dim3A = vector.shape_cast %eq3A_66 : vector<512x1xi1> to vector<512x1xi1>
      %broadcast_in_dim3A_67 = vector.broadcast %broadcast_in_dim3A : vector<512x1xi1> to vector<512x128xi1>
      %broadcast_in_dim3A_68 = vector.broadcast %jit3A : f32 to vector<512x128xf32>
      %select_n3A = arith.select %broadcast_in_dim3A_67, %max3A_36, %broadcast_in_dim3A_68 : vector<512x128xi1>, vector<512x128xf32>
      %reduce_max3A = arith.constant dense<0xFF800000> : vector<128xf32>
      %reduce_max3A_69 = vector.multi_reduction <maximumf>, %select_n3A, %reduce_max3A [0] : vector<512x128xf32> to vector<128xf32>
      %broadcast_in_dim3A_70 = vector.shape_cast %reduce_max3A_69 : vector<128xf32> to vector<1x128xf32>
      %get3A_71 = arith.index_cast %while3A_64 : i32 to index
      %get3A_72 = arith.constant 0 : index
      %get3A_73 = vector.load %arg10[%get3A_71, %get3A_72] : memref<128x128xf32, #tpu.memory_space<vmem>>, vector<1x128xf32>
      %max3A_74 = arith.maximumf %get3A_73, %broadcast_in_dim3A_70 : vector<1x128xf32>
      %swap3A = arith.index_cast %while3A_64 : i32 to index
      %swap3A_75 = arith.constant 0 : index
      %swap3A_76 = vector.load %arg10[%swap3A, %swap3A_75] : memref<128x128xf32, #tpu.memory_space<vmem>>, vector<1x128xf32>
      tpu.vector_store %arg10[%swap3A, %swap3A_75], %max3A_74 {strides = array<i32>} : memref<128x128xf32, #tpu.memory_space<vmem>>, vector<1x128xf32>,
    }
    %while3A_58 = arith.constant 1 : i32
    scf.for %while3A_64 = %while3A_56 to %while3A_52 step %while3A_58  : i32 {
      %eq3A_65 = vector.broadcast %while3A_64 : i32 to vector<512x1xi32>
      %eq3A_66 = arith.cmpi eq, %get3A_39, %eq3A_65 : vector<512x1xi32>
      %jit3A = arith.constant 0xFF800000 : f32
      %broadcast_in_dim3A = vector.shape_cast %eq3A_66 : vector<512x1xi1> to vector<512x1xi1>
      %broadcast_in_dim3A_67 = vector.broadcast %broadcast_in_dim3A : vector<512x1xi1> to vector<512x128xi1>
      %broadcast_in_dim3A_68 = vector.broadcast %jit3A : f32 to vector<512x128xf32>
      %select_n3A = arith.select %broadcast_in_dim3A_67, %max3A_36, %broadcast_in_dim3A_68 : vector<512x128xi1>, vector<512x128xf32>
      %reduce_max3A = arith.constant dense<0xFF800000> : vector<128xf32>
      %reduce_max3A_69 = vector.multi_reduction <maximumf>, %select_n3A, %reduce_max3A [0] : vector<512x128xf32> to vector<128xf32>
      %broadcast_in_dim3A_70 = vector.shape_cast %reduce_max3A_69 : vector<128xf32> to vector<1x128xf32>
      %get3A_71 = arith.index_cast %while3A_64 : i32 to index
      %get3A_72 = arith.constant 0 : index
      %get3A_73 = vector.load %arg10[%get3A_71, %get3A_72] : memref<128x128xf32, #tpu.memory_space<vmem>>, vector<1x128xf32>
      %max3A_74 = arith.maximumf %get3A_73, %broadcast_in_dim3A_70 : vector<1x128xf32>
      %swap3A = arith.index_cast %while3A_64 : i32 to index
      %swap3A_75 = arith.constant 0 : index
      %swap3A_76 = vector.load %arg10[%swap3A, %swap3A_75] : memref<128x128xf32, #tpu.memory_space<vmem>>, vector<1x128xf32>
      tpu.vector_store %arg10[%swap3A, %swap3A_75], %max3A_74 {strides = array<i32>} : memref<128x128xf32, #tpu.memory_space<vmem>>, vector<1x128xf32>,
    }
    %eq3A_59 = arith.constant 19 : i32
    %eq3A_60 = arith.cmpi eq, %arg0, %eq3A_59 : i32
    %convert_element_type3A_61 = arith.extui %eq3A_60 : i1 to i32
    %cond3A_62 = arith.constant 0 : i32
    %cond3A_63 = arith.cmpi ne, %convert_element_type3A_61, %cond3A_62 : i32
    scf.if %cond3A_63 {
      %get3A_64 = arith.constant 0 : index
      %get3A_65 = arith.constant 0 : index
      %get3A_66 = vector.load %arg10[%get3A_64, %get3A_65] : memref<128x128xf32, #tpu.memory_space<vmem>>, vector<128x128xf32>
      %is_finite3A = tpu.weird %get3A_66 : vector<128x128xf32> -> vector<128x128xi1>
      %is_finite3A_67 = arith.constant dense<true> : vector<128x128xi1>
      %is_finite3A_68 = arith.xori %is_finite3A, %is_finite3A_67 : vector<128x128xi1>
      %jit3A = arith.constant 0.000000e+00 : f32
      %broadcast_in_dim3A = vector.broadcast %jit3A : f32 to vector<128x128xf32>
      %select_n3A = arith.select %is_finite3A_68, %get3A_66, %broadcast_in_dim3A : vector<128x128xi1>, vector<128x128xf32>
      %get3A_69 = arith.constant 0 : index
      %get3A_70 = arith.constant 0 : index
      %get3A_71 = vector.load %arg7[%get3A_69, %get3A_70] : memref<128x128xf32, #tpu.memory_space<vmem>>, vector<128x128xf32>
      %dot_general3A = arith.constant dense<0.000000e+00> : vector<128x128xf32>
      %dot_general3A_72 = tpu.matmul %select_n3A, %get3A_71, %dot_general3A {dimension_numbers = #tpu.dot_dimension_numbers<[1], [0], [0], [1], [0, 0, 1, 1], [], []>, transpose_lhs_hint = false} : vector<128x128xf32>, vector<128x128xf32>, vector<128x128xf32> -> vector<128x128xf32>
      %get3A_73 = arith.constant 0 : index
      %get3A_74 = arith.constant 0 : index
      %get3A_75 = vector.load %arg8[%get3A_73, %get3A_74] : memref<1x128xf32, #tpu.memory_space<vmem>>, vector<1x128xf32>
      %add3A_76 = vector.broadcast %get3A_75 : vector<1x128xf32> to vector<128x128xf32>
      %add3A_77 = arith.addf %dot_general3A_72, %add3A_76 : vector<128x128xf32>
      %iota3A = tpu.iota {dimensions = array<i32: 1>} : vector<128x128xi32>
      %lt3A = arith.constant 10 : i32
      %lt3A_78 = vector.broadcast %lt3A : i32 to vector<128x128xi32>
      %lt3A_79 = arith.cmpi slt, %iota3A, %lt3A_78 : vector<128x128xi32>
      %jit3A_80 = arith.constant 0xFF800000 : f32
      %broadcast_in_dim3A_81 = vector.broadcast %jit3A_80 : f32 to vector<128x128xf32>
      %select_n3A_82 = arith.select %lt3A_79, %add3A_77, %broadcast_in_dim3A_81 : vector<128x128xi1>, vector<128x128xf32>
      %reduce_max3A = arith.constant dense<0xFF800000> : vector<128xf32>
      %reduce_max3A_83 = vector.multi_reduction <maximumf>, %select_n3A_82, %reduce_max3A [1] : vector<128x128xf32> to vector<128xf32>
      %broadcast_in_dim3A_84 = vector.shape_cast %reduce_max3A_83 : vector<128xf32> to vector<128x1xf32>
      %sub3A = vector.broadcast %broadcast_in_dim3A_84 : vector<128x1xf32> to vector<128x128xf32>
      %sub3A_85 = arith.subf %add3A_77, %sub3A : vector<128x128xf32>
      %exp3A = math.exp %sub3A_85 : vector<128x128xf32>
      %jit3A_86 = arith.constant 0.000000e+00 : f32
      %broadcast_in_dim3A_87 = vector.broadcast %jit3A_86 : f32 to vector<128x128xf32>
      %select_n3A_88 = arith.select %lt3A_79, %exp3A, %broadcast_in_dim3A_87 : vector<128x128xi1>, vector<128x128xf32>
      %reduce_sum3A = arith.constant dense<0.000000e+00> : vector<128xf32>
      %reduce_sum3A_89 = vector.multi_reduction <add>, %select_n3A_88, %reduce_sum3A [1] : vector<128x128xf32> to vector<128xf32>
      %broadcast_in_dim3A_90 = vector.shape_cast %reduce_sum3A_89 : vector<128xf32> to vector<128x1xf32>
      %log3A = math.log %broadcast_in_dim3A_90 : vector<128x1xf32>
      %add3A_91 = arith.addf %log3A, %broadcast_in_dim3A_84 : vector<128x1xf32>
      %sub3A_92 = vector.broadcast %add3A_91 : vector<128x1xf32> to vector<128x128xf32>
      %sub3A_93 = arith.subf %add3A_77, %sub3A_92 : vector<128x128xf32>
      %swap3A = arith.constant 0 : index
      %swap3A_94 = arith.constant 0 : index
      %swap3A_95 = vector.load %arg9[%swap3A, %swap3A_94] : memref<128x128xf32, #tpu.memory_space<vmem>>, vector<128x128xf32>
      tpu.vector_store %arg9[%swap3A, %swap3A_94], %sub3A_93 {strides = array<i32>} : memref<128x128xf32, #tpu.memory_space<vmem>>, vector<128x128xf32>,
    } else {
    }
    return
  }
  func.func @transform_0(%arg0: i32) -> (i32, i32, i32) {
    %c0_i32 = arith.constant 0 : i32
    %c0_i32_0 = arith.constant 0 : i32
    %c0_i32_1 = arith.constant 0 : i32
    return %c0_i32, %arg0, %c0_i32_0 : i32, i32, i32
  }
  func.func @transform_1(%arg0: i32) -> (i32, i32) {
    %c0_i32 = arith.constant 0 : i32
    %c0_i32_0 = arith.constant 0 : i32
    return %arg0, %c0_i32 : i32, i32
  }
  func.func @transform_2(%arg0: i32) -> (i32, i32, i32) {
    %c0_i32 = arith.constant 0 : i32
    %c0_i32_0 = arith.constant 0 : i32
    %c0_i32_1 = arith.constant 0 : i32
    return %c0_i32, %arg0, %c0_i32_0 : i32, i32, i32
  }
  func.func @transform_3(%arg0: i32) -> (i32, i32) {
    %c0_i32 = arith.constant 0 : i32
    %c0_i32_0 = arith.constant 0 : i32
    %c0_i32_1 = arith.constant 0 : i32
    return %c0_i32, %c0_i32_0 : i32, i32
  }
  func.func @transform_4(%arg0: i32) -> (i32, i32) {
    %c0_i32 = arith.constant 0 : i32
    %c0_i32_0 = arith.constant 0 : i32
    return %arg0, %c0_i32 : i32, i32
  }
  func.func @transform_5(%arg0: i32) -> (i32, i32, i32) {
    %c0_i32 = arith.constant 0 : i32
    %c0_i32_0 = arith.constant 0 : i32
    %c0_i32_1 = arith.constant 0 : i32
    return %arg0, %c0_i32, %c0_i32_0 : i32, i32, i32
  }
  func.func @transform_6(%arg0: i32) -> (i32, i32) {
    %c0_i32 = arith.constant 0 : i32
    %c0_i32_0 = arith.constant 0 : i32
    %c0_i32_1 = arith.constant 0 : i32
    return %c0_i32, %c0_i32_0 : i32, i32
  }
  func.func @transform_7(%arg0: i32) -> (i32, i32) {
    %c0_i32 = arith.constant 0 : i32
    %c0_i32_0 = arith.constant 0 : i32
    %c0_i32_1 = arith.constant 0 : i32
    return %c0_i32, %c0_i32_0 : i32, i32
  }
  func.func @transform_8(%arg0: i32) -> (i32, i32) {
    %c0_i32 = arith.constant 0 : i32
    %c0_i32_0 = arith.constant 0 : i32
    %c0_i32_1 = arith.constant 0 : i32
    return %c0_i32, %c0_i32_0 : i32, i32
  }
}

</mosaic_0001>

<sc_bundles>
// kernel: kernel.10.cloned.1.call-start
scs
__scs_entry_jumppad:
0x0: {  	(pc) =	sbr.rel $0x88, $3  }
0x1: {  	(tag) =	ssettag $0x0;
	lr =	simm.s32 $0x1  }
0x2: {  	[smem:$0x3F9A] =	sst lr;
	_ =	strace $0xD0000000  }
0x3: {  	_ = 	snop  }
0x4: {  	_ = 	snop  }
0x5: {  	_ = 	snop  }
0x6: {  	_ = 	snop  }
0x7: {  	_ = 	snop  }
__scs_overlays_trampoline_lowered:
0x8: {  	[smem:$0x3FA9] =	sst s0  }
0x9: {  	[smem:$0x3FAA] =	sst s1  }
0xa: {  	[smem:$0x3FAB] =	sst s2  }
0xb: {  	[smem:$0x3FAC] =	sst s3  }
0xc: {  	[smem:$0x3FAD] =	sst s4  }
0xd: {  	[smem:$0x3FAE] =	sst s5  }
0xe: {  	[smem:$0x3FAF] =	sst s6  }
0xf: {  	[smem:$0x3FB0] =	sst s7  }
0x10: {  	[smem:$0x3FB1] =	sst s8  }
0x11: {  	[smem:$0x3FB2] =	sst s9;
	s0 =	simm.s32 @!p0 $0x0  }
0x12: {  	s1 =	sld [smem:$0x3F98];
	s0 =	simm.s32 @p0 $0x1  }
0x13: {  	[smem:$0x3FB3] =	sst s0;
	s0 =	simm.s32 @!p1 $0x0  }
0x14: {  	s2 =	sld [smem:$0x3F97];
	s0 =	simm.s32 @p1 $0x1  }
0x15: {  	[smem:$0x3FB4] =	sst s0;
	s0 =	simm.s32 @!p2 $0x0  }
0x16: {  	s3 =	sld [smem:$0x3FDB];
	s0 =	simm.s32 @p2 $0x1  }
0x17: {  	s4 =	simm.s32 $0x1BF5;
	[smem:$0x3FB6] =	sst s0  }
0x18: {  	s0 =	sld [smem:$0x3F99];
	_ =	swait.ge [sflag:s4], $0x0  }
0x19: {  	s7 =	sld [smem:$0x3F9A]  }
0x1a: {  	s8 =	sadd.s32 $0xFFFFE003, lr  }
0x1b: {  	s9 =	sadd.s32 $0xFFFFFEF7, lr;
	s5 =	simm.s32 $0xFFFFFFFF;
	p2 =	slt.u32 s8, $0xFFFFF086  }
0x1c: {  	p1 =	slt.u32 s9, $0xF7A;
	s5 =	simm.s32 @!p2 $0x0  }
0x1d: {  	s5 =	simm.s32 @p1 $0x1;
	p0 =	seq.s32 s7, s2  }
0x1e: {  	s7 =	smul.u32 @!p0 $0xF7A, s2;
	p2 =	seq.s32 @!p0 s5, $0x0  }
0x1f: {  	s9 =	smul.u32 $0xF7A, s1;
	s8 =	simm.s32 @!p0 $0x1BF5;
	p2 =	por !p2, p0  }
0x20: {  	[sflag:s8] =	ssyncset.s32 @!p0 $0xFFFFF086;
	s6 =	sadd.s32 @!p0 s3, s7;
	s7 =	simm.s32 @!p0 $0x108  }
0x21: {  	s3 =	sadd.s32 s3, s9;
	s6 =	sadd.s32 @!p0 $0x88, s6;
	s7 =	simm.s32 @p2 $0x1082  }
0x22: {  	[simem:s7], [sflag:s8] =	dma.local @!p0 [hbm:s6], $0xF7A  }
0x23: {  	s9 =	sor.u32 $0xD0000000, s2;
	s6 =	simm.s32 $0x108;
	_ =	swait.ge @!p0 [sflag:s8], $0x0  }
0x24: {  	s3 =	sadd.s32 $0x88, s3;
	s6 =	simm.s32 @!p1 $0x1082;
	[sflag:s4] =	ssyncset.s32 $0xFFFFF086  }
0x25: {  	[simem:s6], [sflag:s4] =	dma.local [hbm:s3], $0xF7A  }
0x26: {  	[smem:$0x3F9A] =	sst s1;
	(tag) =	ssettag s2;
	_ =	strace s9  }
0x27: {  	s1 =	sld [smem:$0x3FAA]  }
0x28: {  	s2 =	sld [smem:$0x3FAB]  }
0x29: {  	s4 =	sld [smem:$0x3FAD]  }
0x2a: {  	p0 =	seq.s32 s5, $0x0;
	s5 =	sld [smem:$0x3FAE]  }
0x2b: {  	s6 =	sld [smem:$0x3FAF]  }
0x2c: {  	s7 =	sld [smem:$0x3FB0]  }
0x2d: {  	s3 =	simm.s32 $0x108;
	s8 =	sld [smem:$0x3FB1]  }
0x2e: {  	s3 =	simm.s32 @!p0 $0x1082;
	s9 =	sld [smem:$0x3FB2]  }
0x2f: {  	lr =	sadd.s32 s0, s3;
	s0 =	sld [smem:$0x3FA9]  }
0x30: {  	s3 =	sld [smem:$0x3FAC]  }
0x31: {  	[smem:$0x3FB5] =	sst s10  }
0x32: {  	s10 =	sld [smem:$0x3FB3];
	_ =	sdelay $0x3  }
0x33: {  	p0 =	seq.s32 s10, $0x1;
	s10 =	sld [smem:$0x3FB5];
	_ =	sdelay $0x3  }
0x34: {  	[smem:$0x3FB5] =	sst s10  }
0x35: {  	s10 =	sld [smem:$0x3FB4];
	_ =	sdelay $0x3  }
0x36: {  	p1 =	seq.s32 s10, $0x1;
	s10 =	sld [smem:$0x3FB5];
	_ =	sdelay $0x3  }
0x37: {  	[smem:$0x3FB5] =	sst s10  }
0x38: {  	s10 =	sld [smem:$0x3FB6]  }
0x39: {  	_ = 	snop;
	(pc) =	sbr.ind lr, $3  }
0x3a: {  	_ = 	snop  }
0x3b: {  	_ = 	snop  }
0x3c: {  	p2 =	seq.s32 s10, $0x1;
	s10 =	sld [smem:$0x3FB5]  }
0x3d: {  	_ =	shalt  }
0x3e: {  	_ =	shalt  }
0x3f: {  	_ =	shalt  }
0x40: {  	_ =	shalt  }
0x41: {  	_ =	shalt  }
0x42: {  	_ =	shalt  }
0x43: {  	_ =	shalt  }
0x44: {  	_ =	shalt  }
0x45: {  	_ =	shalt  }
0x46: {  	_ =	shalt  }
0x47: {  	_ =	shalt  }
0x48: {  	_ =	shalt  }
0x49: {  	_ =	shalt  }
0x4a: {  	_ =	shalt  }
0x4b: {  	_ =	shalt  }
0x4c: {  	_ =	shalt  }
0x4d: {  	_ =	shalt  }
0x4e: {  	_ =	shalt  }
0x4f: {  	_ =	shalt  }
0x50: {  	_ =	shalt  }
0x51: {  	_ =	shalt  }
0x52: {  	_ =	shalt  }
0x53: {  	_ =	shalt  }
0x54: {  	_ =	shalt  }
0x55: {  	_ =	shalt  }
0x56: {  	_ =	shalt  }
0x57: {  	_ =	shalt  }
0x58: {  	_ =	shalt  }
0x59: {  	_ =	shalt  }
0x5a: {  	_ =	shalt  }
0x5b: {  	_ =	shalt  }
0x5c: {  	_ =	shalt  }
0x5d: {  	_ =	shalt  }
0x5e: {  	_ =	shalt  }
0x5f: {  	_ =	shalt  }
0x60: {  	_ =	shalt  }
0x61: {  	_ =	shalt  }
0x62: {  	_ =	shalt  }
0x63: {  	_ =	shalt  }
0x64: {  	_ =	shalt  }
0x65: {  	_ =	shalt  }
0x66: {  	_ =	shalt  }
0x67: {  	_ =	shalt  }
0x68: {  	_ =	shalt  }
0x69: {  	_ =	shalt  }
0x6a: {  	_ =	shalt  }
0x6b: {  	_ =	shalt  }
0x6c: {  	_ =	shalt  }
0x6d: {  	_ =	shalt  }
0x6e: {  	_ =	shalt  }
0x6f: {  	_ =	shalt  }
0x70: {  	_ =	shalt  }
0x71: {  	_ =	shalt  }
0x72: {  	_ =	shalt  }
0x73: {  	_ =	shalt  }
0x74: {  	_ =	shalt  }
0x75: {  	_ =	shalt  }
0x76: {  	_ =	shalt  }
0x77: {  	_ =	shalt  }
0x78: {  	_ =	shalt  }
0x79: {  	_ =	shalt  }
0x7a: {  	_ =	shalt  }
0x7b: {  	_ =	shalt  }
0x7c: {  	_ =	shalt  }
0x7d: {  	_ =	shalt  }
0x7e: {  	_ =	shalt  }
0x7f: {  	_ =	shalt  }
0x80: {  	_ =	shalt  }
0x81: {  	_ =	shalt  }
0x82: {  	_ =	shalt  }
0x83: {  	_ =	shalt  }
0x84: {  	_ =	shalt  }
0x85: {  	_ =	shalt  }
0x86: {  	_ =	shalt  }
0x87: {  	_ =	shalt  }
.Lfunc_end0:
.L_simem_size_0:
called_computation.1_lowered:
.L_overlay_start_0:
0x88: {  	s2 =	sld [smem:$0x3FD9]  }
0x89: {  	s3 =	sld [smem:$0x3FFE];
	_ =	sdelay $0x1  }
0x8a: {  	s1 =	srdreg.scid  }
0x8b: {  	s0 =	sand.u32 $0x1, s1  }
0x8c: {  	s16 =	sshll.u32 s0, $0xA;
	s2 =	sadd.s32 s3, s2  }
0x8d: {  	s2 =	sadd.s32 s2, s16  }
0x8e: {  	[smem:$0x3FC1] =	sst s2  }
0x8f: {  	_ = 	snop  }
0x90: {  	(tm) =	ssettm $0x1  }
0x91: {  	s17 =	sld [smem:$0x3FFB];
	_ =	sdelay $0x3  }
0x92: {  	_ =	strace s17  }
0x93: {  	s2 =	sld [smem:$0x3FFC];
	_ =	sdelay $0x3  }
0x94: {  	_ =	strace s2  }
0x95: {  	s2 =	sld [smem:$0x3FFD];
	_ =	sdelay $0x3  }
0x96: {  	_ =	strace s2  }
0x97: {  	_ =	strace $0x8FFFFFFF  }
0x98: {  	s18 =	sld [smem:$0x3FDB];
	_ =	sdelay $0x1  }
0x99: {  	s19 =	simm.s32 $_scs_section_size  }
0x9a: {  	s4 =	simm.s32 $_size__tile_overlayer_lowered;
	s5 =	simm.s32 $_tile_overlayer_lowered  }
0x9b: {  	s22 =	simm.s32 $0x1BFF;
	s21 =	sshll.u32 s5, $0x1;
	s2 =	sadd.s32 s19, s18  }
0x9c: {  	s6 =	simm.s32 $0x0;
	s20 =	sshll.u32 s4, $0x1;
	s4 =	sadd.s32 s21, s2  }
0x9d: {  	[timem:s6], [sflag:s22] =	dma.local [hbm:s4], s20  }
0x9e: {  	_ =	swait.ge [sflag:s22], s20  }
0x9f: {  	s3 =	ssub.s32 $0x0, s20;
	[sflag:s22] =	ssyncset.done $0x0  }
0xa0: {  	[sflag:s22] =	ssyncadd.s32 s3;
	_ =	sdelay $0x1  }
0xa1: {  	s23 =	simm.s32 $0x1B8B  }
0xa2: {  	_ =	swait.ge [sflag:s23], $0x1  }
0xa3: {  	[sflag:s23] =	ssyncset.done $0x0  }
0xa4: {  	s25 =	simm.s32 $0x1B8E;
	s24 =	sld [smem:$0x3FFE];
	[sflag:s23] =	ssyncadd.s32 $0xFFFFFFFF  }
0xa5: {  	s26 =	simm.s32 $execute0_lowered;
	[smem:$0x3FD2] =	sst s25  }
0xa6: {  	s4 =	sshll.u32 s26, $0x1;
	_ =	strace $0x80000049;
	[dreg:$0x1] =	wrdreg $0xFFFFFFFF  }
0xa7: {  	s28 =	simm.s32 $_size_execute0_lowered;
	s2 =	sadd.s32 s2, s4;
	[dreg:$0x0] =	wrdreg $0x0  }
0xa8: {  	s4 =	sshll.u32 s28, $0x1;
	[dreg:$0x2] =	wrdreg s2  }
0xa9: {  	[dreg:$0x3] =	wrdreg s4  }
0xaa: {  	[dreg:$0x4] =	wrdreg $0xC0  }
0xab: {  	_ =	task [dreg:s6], $0x5FFFF  }
0xac: {  	[dreg:$0x1] =	wrdreg $0xFFFFFFFF  }
0xad: {  	[dreg:$0x0] =	wrdreg $0x60  }
0xae: {  	[dreg:$0x2] =	wrdreg s24  }
0xaf: {  	[dreg:$0x3] =	wrdreg $0xA8000  }
0xb0: {  	[dreg:$0x4] =	wrdreg $0x9  }
0xb1: {  	_ =	task.clear_ibuf [dreg:s6], $0x5FFFF;
	_ =	strace $0x90000049  }
0xb2: {  	s29 =	simm.s32 $0x9;
	_ =	strace $0x8000004B  }
0xb3: {  	_ =	swait.ge [sflag:s29], $0x1  }
0xb4: {  	[sflag:s29] =	ssyncadd.s32 $0xFFFFFFFF  }
0xb5: {  	_ =	strace $0x9000004B  }
0xb6: {  	_ =	sfence  }
0xb7: {  	s30 =	sld [smem:$0x0];
	_ =	sdelay $0x2  }
0xb8: {  	s31 =	sshll.u32 s1, $0xD;
	s1 =	sshrl.u32 s1, $0x2  }
0xb9: {  	s3 =	sand.u32 $0x4000, s31;
	s1 =	sadd.s32 s1, s30  }
0xba: {  	s0 =	sor.u32 s3, s0;
	s1 =	sshll.u32 s1, $0x11  }
0xbb: {  	s0 =	sor.u32 s1, s0  }
0xbc: {  	s0 =	sadd.s32 $0x8F2B, s0  }
0xbd: {  	[sflag:s0] =	ssyncadd.remote.s32 $0x1  }
0xbe: {  	_ =	sfence.sel $0xFFFF  }
0xbf: {  	[dreg:$0x0] =	wrdreg $0xFFFFFFFF;
	(pc) =	sbr.abs _section_cstart, $3  }
0xc0: {  	[dreg:$0x1] =	wrdreg $0xFFFFFFFF  }
0xc1: {  	_ =	task.clear_ibuf [dreg:s6], $0x2FFFF;
	_ =	strace $0x9FFFFFFF  }
0xc2: {  	(tm) =	ssettm $0x7FFFFFFF  }
0xc3: {  	_ =	shalt  }
tec
execute0_lowered:
.L_overlay_start_1:
0x0: {  	(tag) =	ssettag $0x1  }
0x1: {  	s0 =	rddreg [dreg:$0x0]  }
0x2: {  	s2 =	rddreg [dreg:$0x1]  }
0x3: {  	s12 =	simm.s32 $0x0;
	s8 =	stileid.u32;
	s1 =	srdreg.scid  }
0x4: {  	s9 =	simm.s32 $0xC;
	s28 =	simm.s32 $0x6800;
	s30 =	simm.s32 $0x7800  }
0x5: {  	s31 =	simm.s32 $0x1;
	s10 =	simm.s32 $0x2;
	s11 =	simm.s32 $0x9800  }
0x6: {  	s29 =	simm.s32 $0x6;
	s13 =	simm.s32 $0xD;
	s14 =	simm.s32 $0x8  }
0x7: {  	[smem:$0x7FF] =	sst s12;
	s3 =	smul.u32 $0x14000, s8;
	s1 =	sand.u32 $0x1, s1  }
0x8: {  	s4 =	sadd.s32 $0xD4400, s0;
	s6 =	sadd.s32 $0xAC400, s0;
	s19 =	smul.u32 $0x50000, s8  }
0x9: {  	s15 =	sadd.s32 $0x84400, s0;
	s23 =	sshll.u32 s8, $0x6;
	s24 =	smul.u32 $0x1400, s8  }
0xa: {  	_ =	strace $0x8000004A;
	s5 =	smul.u32 $0x140000, s1;
	[dreg:$0x4] =	wrdreg s6  }
0xb: {  	[dreg:$0x5] =	wrdreg s15;
	s17 =	ssub.s32 $0x2, s1;
	s20 =	smul.u32 $0xC, s1  }
0xc: {  	p0 =	seq.s32 s1, $0x0;
	s15 =	simm.s32 $0x3;
	s16 =	sshrl.u32 s3, $0x3  }
0xd: {  	s7 =	sshrl.u32 s17, $0x1;
	s21 =	sshrl.u32 s19, $0x2;
	[dreg:$0xa] =	wrdreg s24  }
0xe: {  	s19 =	simm.s32 $0x2800;
	s24 =	simm.s32 $0x5;
	s3 =	sadd.s32 s3, s5  }
0xf: {  	s6 =	sadd.s32 s16, s0;
	s18 =	ssub.s32 s17, s7;
	[dreg:$0x6] =	wrdreg s20  }
0x10: {  	s16 =	simm.s32 $0xC;
	s1 =	sadd.s32 s21, s2;
	s17 =	sor.u32 $0x1C11, s23  }
0x11: {  	s21 =	simm.s32 $0x3800;
	s23 =	simm.s32 $0x4800;
	s20 =	simm.s32 $0x4  }
0x12: {  	s5 =	simm.s32 $0xE;
	s7 =	simm.s32 $0x10;
	s3 =	sshrl.u32 s3, $0x3  }
0x13: {  	s16 =	simm.s32 @!p0 $0x4;
	s22 =	sadd.s32 $0xBC00, s6;
	s25 =	smax.u32 s18, $0x1  }
0x14: {  	s26 =	sshrl.u32 s1, $0x3;
	s18 =	simm.s32 $0x20;
	[dreg:$0x9] =	wrdreg s17  }
.Ltmp0:
0x15: {  	s1 =	simm.s32 $0x8800;
	[dreg:$0x8] =	wrdreg s22;
	(pc) =	sbr.rel .LBB2_1-.Ltmp0, $4  }
0x16: {  	s6 =	simm.s32 $0xF;
	s0 =	sadd.s32 s3, s0;
	[dreg:$0xc] =	wrdreg s25  }
0x17: {  	[dreg:$0xd] =	wrdreg s26;
	s25 =	simm.s32 $0x5800;
	s3 =	simm.s32 $0x9  }
0x18: {  	s22 =	simm.s32 $0xA;
	[dreg:$0x7] =	wrdreg s16;
	s0 =	sadd.s32 $0xFC400, s0  }
0x19: {  	s26 =	simm.s32 $0xB;
	[dreg:$0xb] =	wrdreg s0;
	s0 =	simm.s32 $0x7  }
.LBB2_7:
0x1a: {  	[bflag:$0x0] =	sbarrier.arrive $0xFFFF  }
0x1b: {  	s8 =	rddreg [dreg:$0xb]  }
0x1c: {  	s12 =	rddreg [dreg:$0xd]  }
0x1d: {  	[hbm:s8], [sflag:s17] =	dma.local [spmem:s12], $0x2800  }
0x1e: {  	s8 =	simm.s32 $0x11  }
0x1f: {  	_ =	swait.ge [sflag:s8], $0x2800  }
0x20: {  	s12 =	rddreg [dreg:$0x3]  }
0x21: {  	[sflag:s8] =	ssyncset.done $0x0;
	s8 =	rddreg [dreg:$0xc];
	s12 =	sadd.s32 $0x1, s12  }
0x22: {  	p0 =	sne.s32 s12, s8  }
.Ltmp1:
0x23: {  	_ = 	snop;
	(pc) =	sbr.rel @!p0 .LBB2_8-.Ltmp1, $3  }
0x24: {  	_ =	sdelay $0x1  }
0x25: {  	s8 =	simm.s32 $0x11  }
0x26: {  	[sflag:s8] =	ssyncadd.s32 $0xFFFFD800  }
.LBB2_1:
0x27: {  	[dreg:$0x3] =	wrdreg s12  }
0x28: {  	s8 =	rddreg [dreg:$0x8]  }
0x29: {  	s12 =	rddreg [dreg:$0xd]  }
0x2a: {  	[spmem:s12], [sflag:s17] =	dma.local [hbm:s8], $0x2800  }
0x2b: {  	s12 =	simm.s32 $0x11  }
.Ltmp2:
0x2c: {  	_ =	swait.ge [sflag:s12], $0x2800;
	(pc) =	sbr.rel .LBB2_2-.Ltmp2, $4  }
0x2d: {  	[sflag:s12] =	ssyncset.done $0x0  }
0x2e: {  	[sflag:s12] =	ssyncadd.s32 $0xFFFFD800  }
0x2f: {  	[bflag:$0x0] =	sbarrier.arrive $0xFFFF  }
0x30: {  	s12 =	simm.s32 $0x0  }
.LBB2_6:
0x31: {  	s12 =	sadd.s32 $0x1, s12  }
0x32: {  	p0 =	sne.s32 s12, $0xC  }
.Ltmp3:
0x33: {  	_ = 	snop;
	(pc) =	sbr.rel @!p0 .LBB2_7-.Ltmp3, $1  }
0x34: {  	_ =	sdelay $0x3  }
.LBB2_2:
0x35: {  	p0 =	sge.u32 s12, s16  }
.Ltmp4:
0x36: {  	_ = 	snop;
	(pc) =	sbr.rel @p0 .LBB2_6-.Ltmp4, $1  }
0x37: {  	_ =	sdelay $0x3  }
0x38: {  	s8 =	rddreg [dreg:$0x6]  }
0x39: {  	s8 =	sadd.s32 s8, s12  }
0x3a: {  	s8 =	smul.u32 $0x14000, s8  }
0x3b: {  	s16 =	rddreg [dreg:$0xa]  }
0x3c: {  	[dreg:$0xe] =	wrdreg s12;
	s8 =	sadd.s32 s16, s8  }
0x3d: {  	s12 =	rddreg [dreg:$0x4];
	s8 =	sshrl.u32 s8, $0x3  }
0x3e: {  	s16 =	simm.s32 $0x0;
	s17 =	sadd.s32 s12, s8;
	s12 =	simm.s32 $0x11  }
0x3f: {  	[tilespmem:s16], [sflag:$0x11] =	stream.linear.gather [hbm4b:s17+s16], $0x1400, $0x38;
	[tilespmem:$0x1E800] =	vst v63  }
0x40: {  	_ =	swait.ge [sflag:s12], $0x1400  }
0x41: {  	[sflag:s12] =	ssyncset.done $0x0;
	s17 =	rddreg [dreg:$0x5]  }
0x42: {  	[sflag:s12] =	ssyncadd.s32 $0xFFFFEC00;
	s8 =	sadd.s32 s17, s8;
	s17 =	simm.s32 $0x1400  }
0x43: {  	[tilespmem:s17], [sflag:$0x11] =	stream.linear.gather [hbm4b:s8+s16], $0x1400, $0x38;
	[tilespmem:$0x1E800] =	vst v63  }
0x44: {  	_ =	swait.ge [sflag:s12], $0x1400  }
0x45: {  	[sflag:s12] =	ssyncset.done $0x0  }
0x46: {  	[sflag:s12] =	ssyncadd.s32 $0xFFFFEC00  }
0x47: {  	[tilespmem:s19], [sflag:$0x1] =	stream.indirect.gather [hbm4b:s4+s18], $0x80, s16, s18, $0xb8;
	[tilespmem:$0x1E800] =	vst v63  }
0x48: {  	s16 =	simm.s32 $0x80  }
0x49: {  	[tilespmem:s21], [sflag:$0x2] =	stream.indirect.gather [hbm4b:s4+s18], $0x80, s16, s18, $0xb8;
	[tilespmem:$0x1E800] =	vst v63  }
0x4a: {  	s12 =	simm.s32 $0x100  }
0x4b: {  	[tilespmem:s23], [sflag:$0x3] =	stream.indirect.gather [hbm4b:s4+s18], $0x80, s12, s18, $0xb8;
	[tilespmem:$0x1E800] =	vst v63  }
0x4c: {  	s16 =	simm.s32 $0x180  }
0x4d: {  	[tilespmem:s25], [sflag:$0x4] =	stream.indirect.gather [hbm4b:s4+s18], $0x80, s16, s18, $0xb8;
	[tilespmem:$0x1E800] =	vst v63  }
0x4e: {  	s12 =	simm.s32 $0x200  }
0x4f: {  	[tilespmem:s28], [sflag:$0x5] =	stream.indirect.gather [hbm4b:s4+s18], $0x80, s12, s18, $0xb8;
	[tilespmem:$0x1E800] =	vst v63  }
0x50: {  	s16 =	simm.s32 $0x280  }
0x51: {  	[tilespmem:s30], [sflag:$0x6] =	stream.indirect.gather [hbm4b:s4+s18], $0x80, s16, s18, $0xb8;
	[tilespmem:$0x1E800] =	vst v63  }
0x52: {  	_ =	swait.ge [sflag:s31], $0x1000  }
0x53: {  	[sflag:s31] =	ssyncset.done $0x0  }
0x54: {  	[sflag:s31] =	ssyncadd.s32 $0xFFFFF000  }
0x55: {  	[spmem:s2] =	stream.indirect.scatter.add.f32 [tilespmem:s19], [sflag:$0x9], $0x80, s17, s18, $0xb8;
	[tilespmem:$0x1E800] =	vst v63  }
0x56: {  	s12 =	simm.s32 $0x300  }
0x57: {  	[tilespmem:s1], [sflag:$0x7] =	stream.indirect.gather [hbm4b:s4+s18], $0x80, s12, s18, $0xb8;
	[tilespmem:$0x1E800] =	vst v63  }
0x58: {  	_ =	swait.ge [sflag:s10], $0x1000  }
0x59: {  	[sflag:s10] =	ssyncset.done $0x0  }
0x5a: {  	s16 =	simm.s32 $0x1480;
	[sflag:s10] =	ssyncadd.s32 $0xFFFFF000  }
0x5b: {  	[spmem:s2] =	stream.indirect.scatter.add.f32 [tilespmem:s21], [sflag:$0xA], $0x80, s16, s18, $0xb8;
	[tilespmem:$0x1E800] =	vst v63  }
0x5c: {  	s17 =	simm.s32 $0x380  }
0x5d: {  	[tilespmem:s11], [sflag:$0x8] =	stream.indirect.gather [hbm4b:s4+s18], $0x80, s17, s18, $0xb8;
	[tilespmem:$0x1E800] =	vst v63  }
0x5e: {  	_ =	swait.ge [sflag:s15], $0x1000  }
0x5f: {  	[sflag:s15] =	ssyncset.done $0x0  }
0x60: {  	s12 =	simm.s32 $0x1500;
	[sflag:s15] =	ssyncadd.s32 $0xFFFFF000  }
0x61: {  	[spmem:s2] =	stream.indirect.scatter.add.f32 [tilespmem:s23], [sflag:$0xB], $0x80, s12, s18, $0xb8;
	[tilespmem:$0x1E800] =	vst v63  }
0x62: {  	_ =	swait.ge [sflag:s3], $0x1000  }
0x63: {  	[sflag:s3] =	ssyncset.done $0x0  }
0x64: {  	s16 =	simm.s32 $0x400;
	[sflag:s3] =	ssyncadd.s32 $0xFFFFF000  }
0x65: {  	[tilespmem:s19], [sflag:$0x1] =	stream.indirect.gather [hbm4b:s4+s18], $0x80, s16, s18, $0xb8;
	[tilespmem:$0x1E800] =	vst v63  }
0x66: {  	_ =	swait.ge [sflag:s20], $0x1000  }
0x67: {  	[sflag:s20] =	ssyncset.done $0x0  }
0x68: {  	s17 =	simm.s32 $0x1580;
	[sflag:s20] =	ssyncadd.s32 $0xFFFFF000  }
0x69: {  	[spmem:s2] =	stream.indirect.scatter.add.f32 [tilespmem:s25], [sflag:$0xC], $0x80, s17, s18, $0xb8;
	[tilespmem:$0x1E800] =	vst v63  }
0x6a: {  	_ =	swait.ge [sflag:s22], $0x1000  }
0x6b: {  	[sflag:s22] =	ssyncset.done $0x0  }
0x6c: {  	s12 =	simm.s32 $0x480;
	[sflag:s22] =	ssyncadd.s32 $0xFFFFF000  }
0x6d: {  	[tilespmem:s21], [sflag:$0x2] =	stream.indirect.gather [hbm4b:s4+s18], $0x80, s12, s18, $0xb8;
	[tilespmem:$0x1E800] =	vst v63  }
0x6e: {  	_ =	swait.ge [sflag:s24], $0x1000  }
0x6f: {  	[sflag:s24] =	ssyncset.done $0x0  }
0x70: {  	s16 =	simm.s32 $0x1600;
	[sflag:s24] =	ssyncadd.s32 $0xFFFFF000  }
0x71: {  	[spmem:s2] =	stream.indirect.scatter.add.f32 [tilespmem:s28], [sflag:$0xD], $0x80, s16, s18, $0xb8;
	[tilespmem:$0x1E800] =	vst v63  }
0x72: {  	_ =	swait.ge [sflag:s26], $0x1000  }
0x73: {  	[sflag:s26] =	ssyncset.done $0x0  }
0x74: {  	s17 =	simm.s32 $0x500;
	[sflag:s26] =	ssyncadd.s32 $0xFFFFF000  }
0x75: {  	[tilespmem:s23], [sflag:$0x3] =	stream.indirect.gather [hbm4b:s4+s18], $0x80, s17, s18, $0xb8;
	[tilespmem:$0x1E800] =	vst v63  }
0x76: {  	_ =	swait.ge [sflag:s29], $0x1000  }
0x77: {  	[sflag:s29] =	ssyncset.done $0x0  }
0x78: {  	s12 =	simm.s32 $0x1680;
	[sflag:s29] =	ssyncadd.s32 $0xFFFFF000  }
0x79: {  	[spmem:s2] =	stream.indirect.scatter.add.f32 [tilespmem:s30], [sflag:$0xE], $0x80, s12, s18, $0xb8;
	[tilespmem:$0x1E800] =	vst v63  }
0x7a: {  	_ =	swait.ge [sflag:s9], $0x1000  }
0x7b: {  	[sflag:s9] =	ssyncset.done $0x0  }
0x7c: {  	s16 =	simm.s32 $0x580;
	[sflag:s9] =	ssyncadd.s32 $0xFFFFF000  }
0x7d: {  	[tilespmem:s25], [sflag:$0x4] =	stream.indirect.gather [hbm4b:s4+s18], $0x80, s16, s18, $0xb8;
	[tilespmem:$0x1E800] =	vst v63  }
0x7e: {  	_ =	swait.ge [sflag:s0], $0x1000  }
0x7f: {  	[sflag:s0] =	ssyncset.done $0x0  }
0x80: {  	s17 =	simm.s32 $0x1700;
	[sflag:s0] =	ssyncadd.s32 $0xFFFFF000  }
0x81: {  	[spmem:s2] =	stream.indirect.scatter.add.f32 [tilespmem:s1], [sflag:$0xF], $0x80, s17, s18, $0xb8;
	[tilespmem:$0x1E800] =	vst v63  }
0x82: {  	_ =	swait.ge [sflag:s13], $0x1000  }
0x83: {  	[sflag:s13] =	ssyncset.done $0x0  }
0x84: {  	s12 =	simm.s32 $0x600;
	[sflag:s13] =	ssyncadd.s32 $0xFFFFF000  }
0x85: {  	[tilespmem:s28], [sflag:$0x5] =	stream.indirect.gather [hbm4b:s4+s18], $0x80, s12, s18, $0xb8;
	[tilespmem:$0x1E800] =	vst v63  }
0x86: {  	_ =	swait.ge [sflag:s14], $0x1000  }
0x87: {  	[sflag:s14] =	ssyncset.done $0x0  }
0x88: {  	s16 =	simm.s32 $0x1780;
	[sflag:s14] =	ssyncadd.s32 $0xFFFFF000  }
0x89: {  	[spmem:s2] =	stream.indirect.scatter.add.f32 [tilespmem:s11], [sflag:$0x10], $0x80, s16, s18, $0xb8;
	[tilespmem:$0x1E800] =	vst v63  }
0x8a: {  	_ =	swait.ge [sflag:s5], $0x1000  }
0x8b: {  	[sflag:s5] =	ssyncset.done $0x0  }
0x8c: {  	s17 =	simm.s32 $0x680;
	[sflag:s5] =	ssyncadd.s32 $0xFFFFF000  }
0x8d: {  	[tilespmem:s30], [sflag:$0x6] =	stream.indirect.gather [hbm4b:s4+s18], $0x80, s17, s18, $0xb8;
	[tilespmem:$0x1E800] =	vst v63  }
0x8e: {  	_ =	swait.ge [sflag:s31], $0x1000  }
0x8f: {  	[sflag:s31] =	ssyncset.done $0x0  }
0x90: {  	s12 =	simm.s32 $0x1800;
	[sflag:s31] =	ssyncadd.s32 $0xFFFFF000  }
0x91: {  	[spmem:s2] =	stream.indirect.scatter.add.f32 [tilespmem:s19], [sflag:$0x9], $0x80, s12, s18, $0xb8;
	[tilespmem:$0x1E800] =	vst v63  }
0x92: {  	_ =	swait.ge [sflag:s6], $0x1000  }
0x93: {  	[sflag:s6] =	ssyncset.done $0x0  }
0x94: {  	s16 =	simm.s32 $0x700;
	[sflag:s6] =	ssyncadd.s32 $0xFFFFF000  }
0x95: {  	[tilespmem:s1], [sflag:$0x7] =	stream.indirect.gather [hbm4b:s4+s18], $0x80, s16, s18, $0xb8;
	[tilespmem:$0x1E800] =	vst v63  }
0x96: {  	_ =	swait.ge [sflag:s10], $0x1000  }
0x97: {  	[sflag:s10] =	ssyncset.done $0x0  }
0x98: {  	s17 =	simm.s32 $0x1880;
	[sflag:s10] =	ssyncadd.s32 $0xFFFFF000  }
0x99: {  	[spmem:s2] =	stream.indirect.scatter.add.f32 [tilespmem:s21], [sflag:$0xA], $0x80, s17, s18, $0xb8;
	[tilespmem:$0x1E800] =	vst v63  }
0x9a: {  	_ =	swait.ge [sflag:s7], $0x1000  }
0x9b: {  	[sflag:s7] =	ssyncset.done $0x0  }
0x9c: {  	s8 =	simm.s32 $0x780;
	s17 =	simm.s32 $0x1000;
	[sflag:s7] =	ssyncadd.s32 $0xFFFFF000  }
.LBB2_4:
0x9d: {  	[tilespmem:s11], [sflag:$0x8] =	stream.indirect.gather [hbm4b:s4+s18], $0x80, s8, s18, $0xb8;
	[tilespmem:$0x1E800] =	vst v63  }
0x9e: {  	s8 =	smov.u32 s17  }
0x9f: {  	p0 =	sne.s32 s17, $0x3000;
	s17 =	sadd.s32 $0x1000, s17;
	_ =	swait.ge [sflag:s15], $0x1000  }
0xa0: {  	s8 =	sshra.s32 s8, $0x2;
	[sflag:s15] =	ssyncset.done $0x0  }
0xa1: {  	s16 =	sadd.s32 $0x1500, s8;
	[sflag:s15] =	ssyncadd.s32 $0xFFFFF000  }
0xa2: {  	[spmem:s2] =	stream.indirect.scatter.add.f32 [tilespmem:s23], [sflag:$0xB], $0x80, s16, s18, $0xb8;
	[tilespmem:$0x1E800] =	vst v63  }
0xa3: {  	_ =	swait.ge [sflag:s3], $0x1000  }
0xa4: {  	[sflag:s3] =	ssyncset.done $0x0  }
0xa5: {  	s16 =	sadd.s32 $0x400, s8;
	[sflag:s3] =	ssyncadd.s32 $0xFFFFF000  }
0xa6: {  	[tilespmem:s19], [sflag:$0x1] =	stream.indirect.gather [hbm4b:s4+s18], $0x80, s16, s18, $0xb8;
	[tilespmem:$0x1E800] =	vst v63  }
0xa7: {  	_ =	swait.ge [sflag:s20], $0x1000  }
0xa8: {  	[sflag:s20] =	ssyncset.done $0x0  }
0xa9: {  	s16 =	sadd.s32 $0x1580, s8;
	[sflag:s20] =	ssyncadd.s32 $0xFFFFF000  }
0xaa: {  	[spmem:s2] =	stream.indirect.scatter.add.f32 [tilespmem:s25], [sflag:$0xC], $0x80, s16, s18, $0xb8;
	[tilespmem:$0x1E800] =	vst v63  }
0xab: {  	_ =	swait.ge [sflag:s22], $0x1000  }
0xac: {  	[sflag:s22] =	ssyncset.done $0x0  }
0xad: {  	s16 =	sadd.s32 $0x480, s8;
	[sflag:s22] =	ssyncadd.s32 $0xFFFFF000  }
0xae: {  	[tilespmem:s21], [sflag:$0x2] =	stream.indirect.gather [hbm4b:s4+s18], $0x80, s16, s18, $0xb8;
	[tilespmem:$0x1E800] =	vst v63  }
0xaf: {  	_ =	swait.ge [sflag:s24], $0x1000  }
0xb0: {  	[sflag:s24] =	ssyncset.done $0x0  }
0xb1: {  	s16 =	sadd.s32 $0x1600, s8;
	[sflag:s24] =	ssyncadd.s32 $0xFFFFF000  }
0xb2: {  	[spmem:s2] =	stream.indirect.scatter.add.f32 [tilespmem:s28], [sflag:$0xD], $0x80, s16, s18, $0xb8;
	[tilespmem:$0x1E800] =	vst v63  }
0xb3: {  	_ =	swait.ge [sflag:s26], $0x1000  }
0xb4: {  	[sflag:s26] =	ssyncset.done $0x0  }
0xb5: {  	s16 =	sadd.s32 $0x500, s8;
	[sflag:s26] =	ssyncadd.s32 $0xFFFFF000  }
0xb6: {  	[tilespmem:s23], [sflag:$0x3] =	stream.indirect.gather [hbm4b:s4+s18], $0x80, s16, s18, $0xb8;
	[tilespmem:$0x1E800] =	vst v63  }
0xb7: {  	_ =	swait.ge [sflag:s29], $0x1000  }
0xb8: {  	[sflag:s29] =	ssyncset.done $0x0  }
0xb9: {  	s16 =	sadd.s32 $0x1680, s8;
	[sflag:s29] =	ssyncadd.s32 $0xFFFFF000  }
0xba: {  	[spmem:s2] =	stream.indirect.scatter.add.f32 [tilespmem:s30], [sflag:$0xE], $0x80, s16, s18, $0xb8;
	[tilespmem:$0x1E800] =	vst v63  }
0xbb: {  	_ =	swait.ge [sflag:s9], $0x1000  }
0xbc: {  	[sflag:s9] =	ssyncset.done $0x0  }
0xbd: {  	s16 =	sadd.s32 $0x580, s8;
	[sflag:s9] =	ssyncadd.s32 $0xFFFFF000  }
0xbe: {  	[tilespmem:s25], [sflag:$0x4] =	stream.indirect.gather [hbm4b:s4+s18], $0x80, s16, s18, $0xb8;
	[tilespmem:$0x1E800] =	vst v63  }
0xbf: {  	_ =	swait.ge [sflag:s0], $0x1000  }
0xc0: {  	[sflag:s0] =	ssyncset.done $0x0  }
0xc1: {  	s16 =	sadd.s32 $0x1700, s8;
	[sflag:s0] =	ssyncadd.s32 $0xFFFFF000  }
0xc2: {  	[spmem:s2] =	stream.indirect.scatter.add.f32 [tilespmem:s1], [sflag:$0xF], $0x80, s16, s18, $0xb8;
	[tilespmem:$0x1E800] =	vst v63  }
0xc3: {  	_ =	swait.ge [sflag:s13], $0x1000  }
0xc4: {  	[sflag:s13] =	ssyncset.done $0x0  }
0xc5: {  	s16 =	sadd.s32 $0x600, s8;
	[sflag:s13] =	ssyncadd.s32 $0xFFFFF000  }
0xc6: {  	[tilespmem:s28], [sflag:$0x5] =	stream.indirect.gather [hbm4b:s4+s18], $0x80, s16, s18, $0xb8;
	[tilespmem:$0x1E800] =	vst v63  }
0xc7: {  	_ =	swait.ge [sflag:s14], $0x1000  }
0xc8: {  	[sflag:s14] =	ssyncset.done $0x0  }
0xc9: {  	s16 =	sadd.s32 $0x1780, s8;
	[sflag:s14] =	ssyncadd.s32 $0xFFFFF000  }
0xca: {  	[spmem:s2] =	stream.indirect.scatter.add.f32 [tilespmem:s11], [sflag:$0x10], $0x80, s16, s18, $0xb8;
	[tilespmem:$0x1E800] =	vst v63  }
0xcb: {  	_ =	swait.ge [sflag:s5], $0x1000  }
0xcc: {  	[sflag:s5] =	ssyncset.done $0x0  }
0xcd: {  	s16 =	sadd.s32 $0x680, s8;
	[sflag:s5] =	ssyncadd.s32 $0xFFFFF000  }
0xce: {  	[tilespmem:s30], [sflag:$0x6] =	stream.indirect.gather [hbm4b:s4+s18], $0x80, s16, s18, $0xb8;
	[tilespmem:$0x1E800] =	vst v63  }
0xcf: {  	_ =	swait.ge [sflag:s31], $0x1000  }
0xd0: {  	[sflag:s31] =	ssyncset.done $0x0  }
0xd1: {  	s16 =	sadd.s32 $0x1800, s8;
	[sflag:s31] =	ssyncadd.s32 $0xFFFFF000  }
0xd2: {  	[spmem:s2] =	stream.indirect.scatter.add.f32 [tilespmem:s19], [sflag:$0x9], $0x80, s16, s18, $0xb8;
	[tilespmem:$0x1E800] =	vst v63  }
0xd3: {  	_ =	swait.ge [sflag:s6], $0x1000  }
0xd4: {  	[sflag:s6] =	ssyncset.done $0x0  }
0xd5: {  	s16 =	sadd.s32 $0x700, s8;
	[sflag:s6] =	ssyncadd.s32 $0xFFFFF000  }
0xd6: {  	[tilespmem:s1], [sflag:$0x7] =	stream.indirect.gather [hbm4b:s4+s18], $0x80, s16, s18, $0xb8;
	[tilespmem:$0x1E800] =	vst v63  }
0xd7: {  	_ =	swait.ge [sflag:s10], $0x1000  }
0xd8: {  	[sflag:s10] =	ssyncset.done $0x0  }
.Ltmp5:
0xd9: {  	s16 =	sadd.s32 $0x1880, s8;
	[sflag:s10] =	ssyncadd.s32 $0xFFFFF000;
	(pc) =	sbr.rel @p0 .LBB2_4-.Ltmp5, $4  }
0xda: {  	[spmem:s2] =	stream.indirect.scatter.add.f32 [tilespmem:s21], [sflag:$0xA], $0x80, s16, s18, $0xb8;
	[tilespmem:$0x1E800] =	vst v63  }
0xdb: {  	_ =	swait.ge [sflag:s7], $0x1000  }
0xdc: {  	[sflag:s7] =	ssyncset.done $0x0  }
0xdd: {  	s8 =	sadd.s32 $0x780, s8;
	[sflag:s7] =	ssyncadd.s32 $0xFFFFF000  }
0xde: {  	[tilespmem:s11], [sflag:$0x8] =	stream.indirect.gather [hbm4b:s4+s18], $0x80, s8, s18, $0xb8;
	[tilespmem:$0x1E800] =	vst v63  }
0xdf: {  	_ =	swait.ge [sflag:s15], $0x1000  }
0xe0: {  	[sflag:s15] =	ssyncset.done $0x0  }
0xe1: {  	s12 =	simm.s32 $0x2500;
	[sflag:s15] =	ssyncadd.s32 $0xFFFFF000  }
0xe2: {  	[spmem:s2] =	stream.indirect.scatter.add.f32 [tilespmem:s23], [sflag:$0xB], $0x80, s12, s18, $0xb8;
	[tilespmem:$0x1E800] =	vst v63  }
0xe3: {  	_ =	swait.ge [sflag:s3], $0x1000  }
0xe4: {  	[sflag:s3] =	ssyncset.done $0x0  }
0xe5: {  	[sflag:s3] =	ssyncadd.s32 $0xFFFFF000  }
0xe6: {  	_ =	swait.ge [sflag:s20], $0x1000  }
0xe7: {  	[sflag:s20] =	ssyncset.done $0x0  }
0xe8: {  	s16 =	simm.s32 $0x2580;
	[sflag:s20] =	ssyncadd.s32 $0xFFFFF000  }
0xe9: {  	[spmem:s2] =	stream.indirect.scatter.add.f32 [tilespmem:s25], [sflag:$0xC], $0x80, s16, s18, $0xb8;
	[tilespmem:$0x1E800] =	vst v63  }
0xea: {  	_ =	swait.ge [sflag:s22], $0x1000  }
0xeb: {  	[sflag:s22] =	ssyncset.done $0x0  }
0xec: {  	[sflag:s22] =	ssyncadd.s32 $0xFFFFF000  }
0xed: {  	_ =	swait.ge [sflag:s24], $0x1000  }
0xee: {  	[sflag:s24] =	ssyncset.done $0x0  }
0xef: {  	s17 =	simm.s32 $0x2600;
	[sflag:s24] =	ssyncadd.s32 $0xFFFFF000  }
0xf0: {  	[spmem:s2] =	stream.indirect.scatter.add.f32 [tilespmem:s28], [sflag:$0xD], $0x80, s17, s18, $0xb8;
	[tilespmem:$0x1E800] =	vst v63  }
0xf1: {  	_ =	swait.ge [sflag:s26], $0x1000  }
0xf2: {  	[sflag:s26] =	ssyncset.done $0x0  }
0xf3: {  	[sflag:s26] =	ssyncadd.s32 $0xFFFFF000  }
0xf4: {  	_ =	swait.ge [sflag:s29], $0x1000  }
0xf5: {  	[sflag:s29] =	ssyncset.done $0x0  }
0xf6: {  	s12 =	simm.s32 $0x2680;
	[sflag:s29] =	ssyncadd.s32 $0xFFFFF000  }
0xf7: {  	[spmem:s2] =	stream.indirect.scatter.add.f32 [tilespmem:s30], [sflag:$0xE], $0x80, s12, s18, $0xb8;
	[tilespmem:$0x1E800] =	vst v63  }
0xf8: {  	_ =	swait.ge [sflag:s9], $0x1000  }
0xf9: {  	[sflag:s9] =	ssyncset.done $0x0  }
0xfa: {  	[sflag:s9] =	ssyncadd.s32 $0xFFFFF000  }
0xfb: {  	_ =	swait.ge [sflag:s0], $0x1000  }
0xfc: {  	[sflag:s0] =	ssyncset.done $0x0  }
0xfd: {  	s16 =	simm.s32 $0x2700;
	[sflag:s0] =	ssyncadd.s32 $0xFFFFF000  }
0xfe: {  	[spmem:s2] =	stream.indirect.scatter.add.f32 [tilespmem:s1], [sflag:$0xF], $0x80, s16, s18, $0xb8;
	[tilespmem:$0x1E800] =	vst v63  }
0xff: {  	_ =	swait.ge [sflag:s13], $0x1000  }
0x100: {  	[sflag:s13] =	ssyncset.done $0x0  }
0x101: {  	[sflag:s13] =	ssyncadd.s32 $0xFFFFF000  }
0x102: {  	_ =	swait.ge [sflag:s14], $0x1000  }
0x103: {  	[sflag:s14] =	ssyncset.done $0x0  }
0x104: {  	s17 =	simm.s32 $0x2780;
	[sflag:s14] =	ssyncadd.s32 $0xFFFFF000  }
0x105: {  	[spmem:s2] =	stream.indirect.scatter.add.f32 [tilespmem:s11], [sflag:$0x10], $0x80, s17, s18, $0xb8;
	[tilespmem:$0x1E800] =	vst v63  }
0x106: {  	_ =	swait.ge [sflag:s5], $0x1000  }
0x107: {  	[sflag:s5] =	ssyncset.done $0x0  }
0x108: {  	[sflag:s5] =	ssyncadd.s32 $0xFFFFF000  }
0x109: {  	_ =	swait.ge [sflag:s6], $0x1000  }
0x10a: {  	[sflag:s6] =	ssyncset.done $0x0  }
.Ltmp6:
0x10b: {  	[sflag:s6] =	ssyncadd.s32 $0xFFFFF000;
	(pc) =	sbr.rel .LBB2_6-.Ltmp6, $4  }
0x10c: {  	_ =	swait.ge [sflag:s7], $0x1000  }
0x10d: {  	s16 =	rddreg [dreg:$0x7]  }
0x10e: {  	[sflag:s7] =	ssyncset.done $0x0;
	s17 =	rddreg [dreg:$0x9]  }
0x10f: {  	s12 =	rddreg [dreg:$0xe];
	[sflag:s7] =	ssyncadd.s32 $0xFFFFF000  }
.LBB2_8:
0x110: {  	_ =	sfence.sel $0x180000  }
0x111: {  	[bflag:$0x0] =	sbarrier.arrive $0xFFFF  }
0x112: {  	_ =	strace $0x9000004A  }
0x113: {  	s0 =	stileid.u32;
	[bflag:$0x2] =	sbarrier.arrive $0xFFFF  }
0x114: {  	p0 =	sne.s32 s0, $0x0;
	s0 =	rddreg [dreg:$0x2]  }
0x115: {  	s0 =	sadd.s32 @!p0 $0x100000, s0  }
0x116: {  	[sflag:s0] =	ssyncadd.tile.s32 @!p0 $0x1;
	_ =	shalt  }
.Lfunc_end2:
_tile_overlayer_lowered:
.L_overlay_start_2:
0x117: {  	(tag) =	ssettag $0x2  }
0x118: {  	s0 =	rddreg [dreg:$0x0];
	s2 =	stileid.u32  }
0x119: {  	s1 =	rddreg [dreg:$0x1];
	p0 =	sne.s32 s2, $0x0  }
0x11a: {  	s3 =	rddreg [dreg:$0x2];
	[bflag:$0x3] =	sbarrier.arrive $0xFFFF;
	s2 =	simm.s32 @!p0 $0x1C11  }
0x11b: {  	[timem:s3], [sflag:s2] =	dma.local @!p0 [hbm:s0], s1  }
0x11c: {  	s0 =	simm.s32 @!p0 $0x11  }
0x11d: {  	_ =	swait.ge @!p0 [sflag:s0], s1  }
0x11e: {  	s1 =	ssub.s32 @!p0 $0x0, s1;
	[sflag:s0] =	ssyncset.done @!p0 $0x0  }
0x11f: {  	[sflag:s0] =	ssyncadd.s32 @!p0 s1  }
0x120: {  	[bflag:$0x3] =	sbarrier.arrive $0xFFFF  }
0x121: {  	_ =	shalt  }

// kernel: kernel.7.cloned.1.call-start
scs
__scs_entry_jumppad:
0x0: {  	(pc) =	sbr.rel $0x88, $3  }
0x1: {  	(tag) =	ssettag $0x0;
	lr =	simm.s32 $0x1  }
0x2: {  	[smem:$0x3F9A] =	sst lr;
	_ =	strace $0xD0000000  }
0x3: {  	_ = 	snop  }
0x4: {  	_ = 	snop  }
0x5: {  	_ = 	snop  }
0x6: {  	_ = 	snop  }
0x7: {  	_ = 	snop  }
__scs_overlays_trampoline_lowered:
0x8: {  	[smem:$0x3FA9] =	sst s0  }
0x9: {  	[smem:$0x3FAA] =	sst s1  }
0xa: {  	[smem:$0x3FAB] =	sst s2  }
0xb: {  	[smem:$0x3FAC] =	sst s3  }
0xc: {  	[smem:$0x3FAD] =	sst s4  }
0xd: {  	[smem:$0x3FAE] =	sst s5  }
0xe: {  	[smem:$0x3FAF] =	sst s6  }
0xf: {  	[smem:$0x3FB0] =	sst s7  }
0x10: {  	[smem:$0x3FB1] =	sst s8  }
0x11: {  	[smem:$0x3FB2] =	sst s9;
	s0 =	simm.s32 @!p0 $0x0  }
0x12: {  	s1 =	sld [smem:$0x3F98];
	s0 =	simm.s32 @p0 $0x1  }
0x13: {  	[smem:$0x3FB3] =	sst s0;
	s0 =	simm.s32 @!p1 $0x0  }
0x14: {  	s2 =	sld [smem:$0x3F97];
	s0 =	simm.s32 @p1 $0x1  }
0x15: {  	[smem:$0x3FB4] =	sst s0;
	s0 =	simm.s32 @!p2 $0x0  }
0x16: {  	s3 =	sld [smem:$0x3FDB];
	s0 =	simm.s32 @p2 $0x1  }
0x17: {  	s4 =	simm.s32 $0x1BF5;
	[smem:$0x3FB6] =	sst s0  }
0x18: {  	s0 =	sld [smem:$0x3F99];
	_ =	swait.ge [sflag:s4], $0x0  }
0x19: {  	s7 =	sld [smem:$0x3F9A]  }
0x1a: {  	s8 =	sadd.s32 $0xFFFFE003, lr  }
0x1b: {  	s9 =	sadd.s32 $0xFFFFFEF7, lr;
	s5 =	simm.s32 $0xFFFFFFFF;
	p2 =	slt.u32 s8, $0xFFFFF086  }
0x1c: {  	p1 =	slt.u32 s9, $0xF7A;
	s5 =	simm.s32 @!p2 $0x0  }
0x1d: {  	s5 =	simm.s32 @p1 $0x1;
	p0 =	seq.s32 s7, s2  }
0x1e: {  	s7 =	smul.u32 @!p0 $0xF7A, s2;
	p2 =	seq.s32 @!p0 s5, $0x0  }
0x1f: {  	s9 =	smul.u32 $0xF7A, s1;
	s8 =	simm.s32 @!p0 $0x1BF5;
	p2 =	por !p2, p0  }
0x20: {  	[sflag:s8] =	ssyncset.s32 @!p0 $0xFFFFF086;
	s6 =	sadd.s32 @!p0 s3, s7;
	s7 =	simm.s32 @!p0 $0x108  }
0x21: {  	s3 =	sadd.s32 s3, s9;
	s6 =	sadd.s32 @!p0 $0x88, s6;
	s7 =	simm.s32 @p2 $0x1082  }
0x22: {  	[simem:s7], [sflag:s8] =	dma.local @!p0 [hbm:s6], $0xF7A  }
0x23: {  	s9 =	sor.u32 $0xD0000000, s2;
	s6 =	simm.s32 $0x108;
	_ =	swait.ge @!p0 [sflag:s8], $0x0  }
0x24: {  	s3 =	sadd.s32 $0x88, s3;
	s6 =	simm.s32 @!p1 $0x1082;
	[sflag:s4] =	ssyncset.s32 $0xFFFFF086  }
0x25: {  	[simem:s6], [sflag:s4] =	dma.local [hbm:s3], $0xF7A  }
0x26: {  	[smem:$0x3F9A] =	sst s1;
	(tag) =	ssettag s2;
	_ =	strace s9  }
0x27: {  	s1 =	sld [smem:$0x3FAA]  }
0x28: {  	s2 =	sld [smem:$0x3FAB]  }
0x29: {  	s4 =	sld [smem:$0x3FAD]  }
0x2a: {  	p0 =	seq.s32 s5, $0x0;
	s5 =	sld [smem:$0x3FAE]  }
0x2b: {  	s6 =	sld [smem:$0x3FAF]  }
0x2c: {  	s7 =	sld [smem:$0x3FB0]  }
0x2d: {  	s3 =	simm.s32 $0x108;
	s8 =	sld [smem:$0x3FB1]  }
0x2e: {  	s3 =	simm.s32 @!p0 $0x1082;
	s9 =	sld [smem:$0x3FB2]  }
0x2f: {  	lr =	sadd.s32 s0, s3;
	s0 =	sld [smem:$0x3FA9]  }
0x30: {  	s3 =	sld [smem:$0x3FAC]  }
0x31: {  	[smem:$0x3FB5] =	sst s10  }
0x32: {  	s10 =	sld [smem:$0x3FB3];
	_ =	sdelay $0x3  }
0x33: {  	p0 =	seq.s32 s10, $0x1;
	s10 =	sld [smem:$0x3FB5];
	_ =	sdelay $0x3  }
0x34: {  	[smem:$0x3FB5] =	sst s10  }
0x35: {  	s10 =	sld [smem:$0x3FB4];
	_ =	sdelay $0x3  }
0x36: {  	p1 =	seq.s32 s10, $0x1;
	s10 =	sld [smem:$0x3FB5];
	_ =	sdelay $0x3  }
0x37: {  	[smem:$0x3FB5] =	sst s10  }
0x38: {  	s10 =	sld [smem:$0x3FB6]  }
0x39: {  	_ = 	snop;
	(pc) =	sbr.ind lr, $3  }
0x3a: {  	_ = 	snop  }
0x3b: {  	_ = 	snop  }
0x3c: {  	p2 =	seq.s32 s10, $0x1;
	s10 =	sld [smem:$0x3FB5]  }
0x3d: {  	_ =	shalt  }
0x3e: {  	_ =	shalt  }
0x3f: {  	_ =	shalt  }
0x40: {  	_ =	shalt  }
0x41: {  	_ =	shalt  }
0x42: {  	_ =	shalt  }
0x43: {  	_ =	shalt  }
0x44: {  	_ =	shalt  }
0x45: {  	_ =	shalt  }
0x46: {  	_ =	shalt  }
0x47: {  	_ =	shalt  }
0x48: {  	_ =	shalt  }
0x49: {  	_ =	shalt  }
0x4a: {  	_ =	shalt  }
0x4b: {  	_ =	shalt  }
0x4c: {  	_ =	shalt  }
0x4d: {  	_ =	shalt  }
0x4e: {  	_ =	shalt  }
0x4f: {  	_ =	shalt  }
0x50: {  	_ =	shalt  }
0x51: {  	_ =	shalt  }
0x52: {  	_ =	shalt  }
0x53: {  	_ =	shalt  }
0x54: {  	_ =	shalt  }
0x55: {  	_ =	shalt  }
0x56: {  	_ =	shalt  }
0x57: {  	_ =	shalt  }
0x58: {  	_ =	shalt  }
0x59: {  	_ =	shalt  }
0x5a: {  	_ =	shalt  }
0x5b: {  	_ =	shalt  }
0x5c: {  	_ =	shalt  }
0x5d: {  	_ =	shalt  }
0x5e: {  	_ =	shalt  }
0x5f: {  	_ =	shalt  }
0x60: {  	_ =	shalt  }
0x61: {  	_ =	shalt  }
0x62: {  	_ =	shalt  }
0x63: {  	_ =	shalt  }
0x64: {  	_ =	shalt  }
0x65: {  	_ =	shalt  }
0x66: {  	_ =	shalt  }
0x67: {  	_ =	shalt  }
0x68: {  	_ =	shalt  }
0x69: {  	_ =	shalt  }
0x6a: {  	_ =	shalt  }
0x6b: {  	_ =	shalt  }
0x6c: {  	_ =	shalt  }
0x6d: {  	_ =	shalt  }
0x6e: {  	_ =	shalt  }
0x6f: {  	_ =	shalt  }
0x70: {  	_ =	shalt  }
0x71: {  	_ =	shalt  }
0x72: {  	_ =	shalt  }
0x73: {  	_ =	shalt  }
0x74: {  	_ =	shalt  }
0x75: {  	_ =	shalt  }
0x76: {  	_ =	shalt  }
0x77: {  	_ =	shalt  }
0x78: {  	_ =	shalt  }
0x79: {  	_ =	shalt  }
0x7a: {  	_ =	shalt  }
0x7b: {  	_ =	shalt  }
0x7c: {  	_ =	shalt  }
0x7d: {  	_ =	shalt  }
0x7e: {  	_ =	shalt  }
0x7f: {  	_ =	shalt  }
0x80: {  	_ =	shalt  }
0x81: {  	_ =	shalt  }
0x82: {  	_ =	shalt  }
0x83: {  	_ =	shalt  }
0x84: {  	_ =	shalt  }
0x85: {  	_ =	shalt  }
0x86: {  	_ =	shalt  }
0x87: {  	_ =	shalt  }
.Lfunc_end0:
.L_simem_size_0:
called_computation_lowered:
.L_overlay_start_0:
0x88: {  	s2 =	sld [smem:$0x3FD9]  }
0x89: {  	s3 =	sld [smem:$0x3FFE];
	_ =	sdelay $0x1  }
0x8a: {  	s1 =	srdreg.scid  }
0x8b: {  	s0 =	sand.u32 $0x1, s1  }
0x8c: {  	s16 =	sshll.u32 s0, $0xA;
	s2 =	sadd.s32 s3, s2  }
0x8d: {  	s2 =	sadd.s32 s2, s16  }
0x8e: {  	[smem:$0x3FC1] =	sst s2  }
0x8f: {  	_ = 	snop  }
0x90: {  	(tm) =	ssettm $0x1  }
0x91: {  	s17 =	sld [smem:$0x3FFB];
	_ =	sdelay $0x3  }
0x92: {  	_ =	strace s17  }
0x93: {  	s2 =	sld [smem:$0x3FFC];
	_ =	sdelay $0x3  }
0x94: {  	_ =	strace s2  }
0x95: {  	s2 =	sld [smem:$0x3FFD];
	_ =	sdelay $0x3  }
0x96: {  	_ =	strace s2  }
0x97: {  	_ =	strace $0x8FFFFFFF  }
0x98: {  	s18 =	sld [smem:$0x3FDB];
	_ =	sdelay $0x1  }
0x99: {  	s19 =	simm.s32 $_scs_section_size  }
0x9a: {  	s4 =	simm.s32 $_size__tile_overlayer_lowered;
	s5 =	simm.s32 $_tile_overlayer_lowered  }
0x9b: {  	s22 =	simm.s32 $0x1BFF;
	s21 =	sshll.u32 s5, $0x1;
	s2 =	sadd.s32 s19, s18  }
0x9c: {  	s6 =	simm.s32 $0x0;
	s20 =	sshll.u32 s4, $0x1;
	s4 =	sadd.s32 s21, s2  }
0x9d: {  	[timem:s6], [sflag:s22] =	dma.local [hbm:s4], s20  }
0x9e: {  	_ =	swait.ge [sflag:s22], s20  }
0x9f: {  	s3 =	ssub.s32 $0x0, s20;
	[sflag:s22] =	ssyncset.done $0x0  }
0xa0: {  	[sflag:s22] =	ssyncadd.s32 s3;
	_ =	sdelay $0x1  }
0xa1: {  	s23 =	simm.s32 $0x1B8B  }
0xa2: {  	_ =	swait.ge [sflag:s23], $0x1  }
0xa3: {  	[sflag:s23] =	ssyncset.done $0x0  }
0xa4: {  	s25 =	simm.s32 $0x1B8E;
	s24 =	sld [smem:$0x3FFE];
	[sflag:s23] =	ssyncadd.s32 $0xFFFFFFFF  }
0xa5: {  	s26 =	simm.s32 $execute0_lowered;
	[smem:$0x3FD2] =	sst s25  }
0xa6: {  	s4 =	sshll.u32 s26, $0x1;
	_ =	strace $0x80000046;
	[dreg:$0x1] =	wrdreg $0xFFFFFFFF  }
0xa7: {  	s28 =	simm.s32 $_size_execute0_lowered;
	s2 =	sadd.s32 s2, s4;
	[dreg:$0x0] =	wrdreg $0x0  }
0xa8: {  	s4 =	sshll.u32 s28, $0x1;
	[dreg:$0x2] =	wrdreg s2  }
0xa9: {  	[dreg:$0x3] =	wrdreg s4  }
0xaa: {  	[dreg:$0x4] =	wrdreg $0xC0  }
0xab: {  	_ =	task [dreg:s6], $0x5FFFF  }
0xac: {  	[dreg:$0x1] =	wrdreg $0xFFFFFFFF  }
0xad: {  	[dreg:$0x0] =	wrdreg $0x60  }
0xae: {  	[dreg:$0x2] =	wrdreg s24  }
0xaf: {  	[dreg:$0x3] =	wrdreg $0x68000  }
0xb0: {  	[dreg:$0x4] =	wrdreg $0x9  }
0xb1: {  	_ =	task.clear_ibuf [dreg:s6], $0x5FFFF;
	_ =	strace $0x90000046  }
0xb2: {  	s29 =	simm.s32 $0x9;
	_ =	strace $0x80000048  }
0xb3: {  	_ =	swait.ge [sflag:s29], $0x1  }
0xb4: {  	[sflag:s29] =	ssyncadd.s32 $0xFFFFFFFF  }
0xb5: {  	_ =	strace $0x90000048  }
0xb6: {  	_ =	sfence  }
0xb7: {  	s30 =	sld [smem:$0x0];
	_ =	sdelay $0x2  }
0xb8: {  	s31 =	sshll.u32 s1, $0xD;
	s1 =	sshrl.u32 s1, $0x2  }
0xb9: {  	s3 =	sand.u32 $0x4000, s31;
	s1 =	sadd.s32 s1, s30  }
0xba: {  	s0 =	sor.u32 s3, s0;
	s1 =	sshll.u32 s1, $0x11  }
0xbb: {  	s0 =	sor.u32 s1, s0  }
0xbc: {  	s0 =	sadd.s32 $0x8F2B, s0  }
0xbd: {  	[sflag:s0] =	ssyncadd.remote.s32 $0x1  }
0xbe: {  	_ =	sfence.sel $0xFFFF  }
0xbf: {  	[dreg:$0x0] =	wrdreg $0xFFFFFFFF;
	(pc) =	sbr.abs _section_cstart, $3  }
0xc0: {  	[dreg:$0x1] =	wrdreg $0xFFFFFFFF  }
0xc1: {  	_ =	task.clear_ibuf [dreg:s6], $0x2FFFF;
	_ =	strace $0x9FFFFFFF  }
0xc2: {  	(tm) =	ssettm $0x7FFFFFFF  }
0xc3: {  	_ =	shalt  }
tec
execute0_lowered:
.L_overlay_start_1:
0x0: {  	(tag) =	ssettag $0x1  }
0x1: {  	s6 =	rddreg [dreg:$0x0]  }
0x2: {  	s0 =	srdreg.scid;
	s2 =	rddreg [dreg:$0x1]  }
0x3: {  	s3 =	simm.s32 $0x0;
	s5 =	sand.u32 $0x1, s0;
	s0 =	stileid.u32  }
0x4: {  	s13 =	simm.s32 $0x80;
	s14 =	simm.s32 $0x1;
	s7 =	smul.u32 $0x14000, s0  }
0x5: {  	s15 =	simm.s32 $0x0;
	[smem:$0x7FF] =	sst s3;
	s8 =	smul.u32 $0x140000, s5  }
0x6: {  	s1 =	sshll.u32 s5, $0x4;
	s5 =	ssub.s32 $0x2, s5;
	s28 =	smul.u32 $0x50000, s0  }
0x7: {  	s31 =	sshll.u32 s0, $0x6;
	s1 =	sor.u32 s0, s1;
	s29 =	sshrl.u32 s5, $0x1  }
0x8: {  	s4 =	smul.u32 $0x500, s1;
	s1 =	rddreg [dreg:$0x2];
	_ =	strace $0x80000047  }
0x9: {  	s10 =	sshrl.u32 s7, $0x3;
	s7 =	sadd.s32 s7, s8;
	s11 =	ssub.s32 s5, s29  }
0xa: {  	s30 =	sshrl.u32 s28, $0x2;
	s7 =	sshrl.u32 s7, $0x3;
	s10 =	sadd.s32 s10, s6  }
0xb: {  	s12 =	sadd.s32 s30, s2;
	s8 =	smax.u32 s11, $0x1;
	s11 =	sor.u32 $0x1C02, s31  }
0xc: {  	s9 =	sadd.s32 s4, s6;
	s4 =	sadd.s32 $0x33C00, s6;
	s7 =	sadd.s32 s7, s6  }
0xd: {  	s6 =	sadd.s32 $0xBC00, s10;
	s10 =	simm.s32 $0x2800;
	s12 =	sshrl.u32 s12, $0x3  }
0xe: {  	s5 =	sadd.s32 $0x1C00, s9;
	s7 =	sadd.s32 $0x34400, s7;
	s9 =	simm.s32 $0x2  }
.LBB2_1:
0xf: {  	[tilespmem:s3], [sflag:$0x2] =	stream.linear.gather [hbm4b:s5+s3], $0x2800, $0x38;
	[tilespmem:$0x1A800] =	vst v63  }
0x10: {  	_ =	swait.ge [sflag:s9], $0x2800  }
0x11: {  	[sflag:s9] =	ssyncset.done $0x0  }
0x12: {  	[sflag:s9] =	ssyncadd.s32 $0xFFFFD800  }
0x13: {  	[tilespmem:s10], [sflag:$0x2] =	stream.linear.gather [hbm4b:s4+s3], $0x4000, $0x38;
	[tilespmem:$0x1A800] =	vst v63  }
0x14: {  	_ =	swait.ge [sflag:s9], $0x4000  }
0x15: {  	[sflag:s9] =	ssyncset.done $0x0  }
0x16: {  	[sflag:s9] =	ssyncadd.s32 $0xFFFFC000  }
0x17: {  	[spmem:s12], [sflag:s11] =	dma.local [hbm:s6], $0x2800  }
0x18: {  	_ =	swait.ge [sflag:s9], $0x2800  }
0x19: {  	[sflag:s9] =	ssyncset.done $0x0  }
0x1a: {  	[sflag:s9] =	ssyncadd.s32 $0xFFFFD800  }
0x1b: {  	s16 =	simm.s32 $0x0;
	[bflag:$0x0] =	sbarrier.arrive $0xFFFF  }
0x1c: {  	[spmem:s2] =	stream.indirect.scatter.add.f32 [tilespmem:s10], [sflag:$0x1], $0x80, s16, s13, $0xb8;
	[tilespmem:$0x1A800] =	vst v63  }
0x1d: {  	s24 =	simm.s32 $0x80  }
0x1e: {  	[spmem:s2] =	stream.indirect.scatter.add.f32 [tilespmem:s10], [sflag:$0x1], $0x80, s24, s13, $0xb8;
	[tilespmem:$0x1A800] =	vst v63  }
0x1f: {  	s25 =	simm.s32 $0x100  }
0x20: {  	[spmem:s2] =	stream.indirect.scatter.add.f32 [tilespmem:s10], [sflag:$0x1], $0x80, s25, s13, $0xb8;
	[tilespmem:$0x1A800] =	vst v63  }
0x21: {  	s26 =	simm.s32 $0x180  }
0x22: {  	[spmem:s2] =	stream.indirect.scatter.add.f32 [tilespmem:s10], [sflag:$0x1], $0x80, s26, s13, $0xb8;
	[tilespmem:$0x1A800] =	vst v63  }
0x23: {  	s28 =	simm.s32 $0x200  }
0x24: {  	[spmem:s2] =	stream.indirect.scatter.add.f32 [tilespmem:s10], [sflag:$0x1], $0x80, s28, s13, $0xb8;
	[tilespmem:$0x1A800] =	vst v63  }
0x25: {  	s29 =	simm.s32 $0x280  }
0x26: {  	[spmem:s2] =	stream.indirect.scatter.add.f32 [tilespmem:s10], [sflag:$0x1], $0x80, s29, s13, $0xb8;
	[tilespmem:$0x1A800] =	vst v63  }
0x27: {  	s30 =	simm.s32 $0x300  }
0x28: {  	[spmem:s2] =	stream.indirect.scatter.add.f32 [tilespmem:s10], [sflag:$0x1], $0x80, s30, s13, $0xb8;
	[tilespmem:$0x1A800] =	vst v63  }
0x29: {  	s31 =	simm.s32 $0x380  }
0x2a: {  	[spmem:s2] =	stream.indirect.scatter.add.f32 [tilespmem:s10], [sflag:$0x1], $0x80, s31, s13, $0xb8;
	[tilespmem:$0x1A800] =	vst v63  }
0x2b: {  	_ =	swait.ge [sflag:s14], $0x4000  }
0x2c: {  	[sflag:s14] =	ssyncset.done $0x0  }
0x2d: {  	[sflag:s14] =	ssyncadd.s32 $0xFFFFC000  }
0x2e: {  	_ =	swait.ge [sflag:s14], $0x4000  }
0x2f: {  	[sflag:s14] =	ssyncset.done $0x0  }
0x30: {  	[sflag:s14] =	ssyncadd.s32 $0xFFFFC000  }
0x31: {  	_ =	swait.ge [sflag:s14], $0x4000  }
0x32: {  	[sflag:s14] =	ssyncset.done $0x0  }
0x33: {  	[sflag:s14] =	ssyncadd.s32 $0xFFFFC000  }
0x34: {  	_ =	swait.ge [sflag:s14], $0x4000  }
0x35: {  	[sflag:s14] =	ssyncset.done $0x0  }
0x36: {  	[sflag:s14] =	ssyncadd.s32 $0xFFFFC000  }
0x37: {  	_ =	swait.ge [sflag:s14], $0x4000  }
0x38: {  	[sflag:s14] =	ssyncset.done $0x0  }
0x39: {  	[sflag:s14] =	ssyncadd.s32 $0xFFFFC000  }
0x3a: {  	_ =	swait.ge [sflag:s14], $0x4000  }
0x3b: {  	[sflag:s14] =	ssyncset.done $0x0  }
0x3c: {  	[sflag:s14] =	ssyncadd.s32 $0xFFFFC000  }
0x3d: {  	_ =	swait.ge [sflag:s14], $0x4000  }
0x3e: {  	[sflag:s14] =	ssyncset.done $0x0  }
0x3f: {  	[sflag:s14] =	ssyncadd.s32 $0xFFFFC000  }
0x40: {  	_ =	swait.ge [sflag:s14], $0x4000  }
0x41: {  	s18 =	simm.s32 $0x2000;
	s16 =	simm.s32 $0x1000;
	[sflag:s14] =	ssyncset.done $0x0  }
.LBB2_2:
0x42: {  	s19 =	sshra.s32 s16, $0x2  }
0x43: {  	[sflag:s14] =	ssyncadd.s32 $0xFFFFC000;
	s16 =	smov.u32 s18;
	s17 =	sadd.s32 $0x1000, s18  }
0x44: {  	[spmem:s2] =	stream.indirect.scatter.add.f32 [tilespmem:s10], [sflag:$0x1], $0x80, s19, s13, $0xb8;
	[tilespmem:$0x1A800] =	vst v63  }
0x45: {  	p0 =	sne.s32 s18, $0x9000;
	s18 =	sadd.s32 $0x80, s19  }
0x46: {  	[spmem:s2] =	stream.indirect.scatter.add.f32 [tilespmem:s10], [sflag:$0x1], $0x80, s18, s13, $0xb8;
	[tilespmem:$0x1A800] =	vst v63  }
0x47: {  	s18 =	sadd.s32 $0x100, s19  }
0x48: {  	[spmem:s2] =	stream.indirect.scatter.add.f32 [tilespmem:s10], [sflag:$0x1], $0x80, s18, s13, $0xb8;
	[tilespmem:$0x1A800] =	vst v63  }
0x49: {  	s18 =	sadd.s32 $0x180, s19  }
0x4a: {  	[spmem:s2] =	stream.indirect.scatter.add.f32 [tilespmem:s10], [sflag:$0x1], $0x80, s18, s13, $0xb8;
	[tilespmem:$0x1A800] =	vst v63  }
0x4b: {  	s18 =	sadd.s32 $0x200, s19  }
0x4c: {  	[spmem:s2] =	stream.indirect.scatter.add.f32 [tilespmem:s10], [sflag:$0x1], $0x80, s18, s13, $0xb8;
	[tilespmem:$0x1A800] =	vst v63  }
0x4d: {  	s18 =	sadd.s32 $0x280, s19  }
0x4e: {  	[spmem:s2] =	stream.indirect.scatter.add.f32 [tilespmem:s10], [sflag:$0x1], $0x80, s18, s13, $0xb8;
	[tilespmem:$0x1A800] =	vst v63  }
0x4f: {  	s18 =	sadd.s32 $0x300, s19  }
0x50: {  	[spmem:s2] =	stream.indirect.scatter.add.f32 [tilespmem:s10], [sflag:$0x1], $0x80, s18, s13, $0xb8;
	[tilespmem:$0x1A800] =	vst v63  }
0x51: {  	s18 =	sadd.s32 $0x380, s19  }
0x52: {  	[spmem:s2] =	stream.indirect.scatter.add.f32 [tilespmem:s10], [sflag:$0x1], $0x80, s18, s13, $0xb8;
	[tilespmem:$0x1A800] =	vst v63  }
0x53: {  	_ =	swait.ge [sflag:s14], $0x4000  }
0x54: {  	[sflag:s14] =	ssyncset.done $0x0  }
0x55: {  	[sflag:s14] =	ssyncadd.s32 $0xFFFFC000  }
0x56: {  	_ =	swait.ge [sflag:s14], $0x4000  }
0x57: {  	[sflag:s14] =	ssyncset.done $0x0  }
0x58: {  	[sflag:s14] =	ssyncadd.s32 $0xFFFFC000  }
0x59: {  	_ =	swait.ge [sflag:s14], $0x4000  }
0x5a: {  	[sflag:s14] =	ssyncset.done $0x0  }
0x5b: {  	[sflag:s14] =	ssyncadd.s32 $0xFFFFC000  }
0x5c: {  	_ =	swait.ge [sflag:s14], $0x4000  }
0x5d: {  	[sflag:s14] =	ssyncset.done $0x0  }
0x5e: {  	[sflag:s14] =	ssyncadd.s32 $0xFFFFC000  }
0x5f: {  	_ =	swait.ge [sflag:s14], $0x4000  }
0x60: {  	[sflag:s14] =	ssyncset.done $0x0  }
0x61: {  	[sflag:s14] =	ssyncadd.s32 $0xFFFFC000  }
0x62: {  	_ =	swait.ge [sflag:s14], $0x4000  }
0x63: {  	[sflag:s14] =	ssyncset.done $0x0  }
0x64: {  	[sflag:s14] =	ssyncadd.s32 $0xFFFFC000  }
.Ltmp0:
0x65: {  	_ =	swait.ge [sflag:s14], $0x4000;
	(pc) =	sbr.rel @p0 .LBB2_2-.Ltmp0, $4  }
0x66: {  	[sflag:s14] =	ssyncset.done $0x0  }
0x67: {  	[sflag:s14] =	ssyncadd.s32 $0xFFFFC000  }
0x68: {  	_ =	swait.ge [sflag:s14], $0x4000  }
0x69: {  	s18 =	smov.u32 s17;
	[sflag:s14] =	ssyncset.done $0x0  }
0x6a: {  	s16 =	sshra.s32 s16, $0x2;
	[sflag:s14] =	ssyncadd.s32 $0xFFFFC000  }
0x6b: {  	[spmem:s2] =	stream.indirect.scatter.add.f32 [tilespmem:s10], [sflag:$0x1], $0x80, s16, s13, $0xb8;
	[tilespmem:$0x1A800] =	vst v63  }
0x6c: {  	s17 =	sadd.s32 $0x80, s16  }
0x6d: {  	[spmem:s2] =	stream.indirect.scatter.add.f32 [tilespmem:s10], [sflag:$0x1], $0x80, s17, s13, $0xb8;
	[tilespmem:$0x1A800] =	vst v63  }
0x6e: {  	s26 =	sadd.s32 $0x100, s16  }
0x6f: {  	[spmem:s2] =	stream.indirect.scatter.add.f32 [tilespmem:s10], [sflag:$0x1], $0x80, s26, s13, $0xb8;
	[tilespmem:$0x1A800] =	vst v63  }
0x70: {  	s28 =	sadd.s32 $0x180, s16  }
0x71: {  	[spmem:s2] =	stream.indirect.scatter.add.f32 [tilespmem:s10], [sflag:$0x1], $0x80, s28, s13, $0xb8;
	[tilespmem:$0x1A800] =	vst v63  }
0x72: {  	s29 =	sadd.s32 $0x200, s16  }
0x73: {  	[spmem:s2] =	stream.indirect.scatter.add.f32 [tilespmem:s10], [sflag:$0x1], $0x80, s29, s13, $0xb8;
	[tilespmem:$0x1A800] =	vst v63  }
0x74: {  	s30 =	sadd.s32 $0x280, s16  }
0x75: {  	[spmem:s2] =	stream.indirect.scatter.add.f32 [tilespmem:s10], [sflag:$0x1], $0x80, s30, s13, $0xb8;
	[tilespmem:$0x1A800] =	vst v63  }
0x76: {  	s31 =	sadd.s32 $0x300, s16  }
0x77: {  	[spmem:s2] =	stream.indirect.scatter.add.f32 [tilespmem:s10], [sflag:$0x1], $0x80, s31, s13, $0xb8;
	[tilespmem:$0x1A800] =	vst v63  }
0x78: {  	s16 =	sadd.s32 $0x380, s16  }
0x79: {  	[spmem:s2] =	stream.indirect.scatter.add.f32 [tilespmem:s10], [sflag:$0x1], $0x80, s16, s13, $0xb8;
	[tilespmem:$0x1A800] =	vst v63  }
0x7a: {  	_ =	swait.ge [sflag:s14], $0x4000  }
0x7b: {  	[sflag:s14] =	ssyncset.done $0x0  }
0x7c: {  	[sflag:s14] =	ssyncadd.s32 $0xFFFFC000  }
0x7d: {  	_ =	swait.ge [sflag:s14], $0x4000  }
0x7e: {  	[sflag:s14] =	ssyncset.done $0x0  }
0x7f: {  	[sflag:s14] =	ssyncadd.s32 $0xFFFFC000  }
0x80: {  	_ =	swait.ge [sflag:s14], $0x4000  }
0x81: {  	[sflag:s14] =	ssyncset.done $0x0  }
0x82: {  	[sflag:s14] =	ssyncadd.s32 $0xFFFFC000  }
0x83: {  	_ =	swait.ge [sflag:s14], $0x4000  }
0x84: {  	[sflag:s14] =	ssyncset.done $0x0  }
0x85: {  	[sflag:s14] =	ssyncadd.s32 $0xFFFFC000  }
0x86: {  	_ =	swait.ge [sflag:s14], $0x4000  }
0x87: {  	[sflag:s14] =	ssyncset.done $0x0  }
0x88: {  	[sflag:s14] =	ssyncadd.s32 $0xFFFFC000  }
0x89: {  	_ =	swait.ge [sflag:s14], $0x4000  }
0x8a: {  	[sflag:s14] =	ssyncset.done $0x0  }
0x8b: {  	[sflag:s14] =	ssyncadd.s32 $0xFFFFC000  }
0x8c: {  	_ =	swait.ge [sflag:s14], $0x4000  }
0x8d: {  	[sflag:s14] =	ssyncset.done $0x0  }
0x8e: {  	[sflag:s14] =	ssyncadd.s32 $0xFFFFC000  }
0x8f: {  	_ =	swait.ge [sflag:s14], $0x4000  }
0x90: {  	s15 =	sadd.s32 $0x1, s15;
	[sflag:s14] =	ssyncset.done $0x0  }
0x91: {  	p0 =	sne.s32 s15, s8;
	[sflag:s14] =	ssyncadd.s32 $0xFFFFC000  }
.Ltmp1:
0x92: {  	[bflag:$0x0] =	sbarrier.arrive $0xFFFF;
	(pc) =	sbr.rel @p0 .LBB2_1-.Ltmp1, $4  }
0x93: {  	[hbm:s7], [sflag:s11] =	dma.local [spmem:s12], $0x2800  }
0x94: {  	_ =	swait.ge [sflag:s9], $0x2800  }
0x95: {  	[sflag:s9] =	ssyncset.done $0x0  }
0x96: {  	[sflag:s9] =	ssyncadd.s32 $0xFFFFD800  }
0x97: {  	_ =	sfence.sel $0x180000  }
0x98: {  	[bflag:$0x0] =	sbarrier.arrive $0xFFFF  }
0x99: {  	p0 =	sne.s32 s0, $0x0;
	_ =	strace $0x90000047  }
0x9a: {  	s0 =	sadd.s32 @!p0 $0x100000, s1;
	[bflag:$0x2] =	sbarrier.arrive $0xFFFF  }
0x9b: {  	[sflag:s0] =	ssyncadd.tile.s32 @!p0 $0x1;
	_ =	shalt  }
.Lfunc_end2:
_tile_overlayer_lowered:
.L_overlay_start_2:
0x9c: {  	(tag) =	ssettag $0x2  }
0x9d: {  	s0 =	rddreg [dreg:$0x0];
	s2 =	stileid.u32  }
0x9e: {  	s1 =	rddreg [dreg:$0x1];
	p0 =	sne.s32 s2, $0x0  }
0x9f: {  	s3 =	rddreg [dreg:$0x2];
	[bflag:$0x3] =	sbarrier.arrive $0xFFFF;
	s2 =	simm.s32 @!p0 $0x1C02  }
0xa0: {  	[timem:s3], [sflag:s2] =	dma.local @!p0 [hbm:s0], s1  }
0xa1: {  	s0 =	simm.s32 @!p0 $0x2  }
0xa2: {  	_ =	swait.ge @!p0 [sflag:s0], s1  }
0xa3: {  	s1 =	ssub.s32 @!p0 $0x0, s1;
	[sflag:s0] =	ssyncset.done @!p0 $0x0  }
0xa4: {  	[sflag:s0] =	ssyncadd.s32 @!p0 s1  }
0xa5: {  	[bflag:$0x3] =	sbarrier.arrive $0xFFFF  }
0xa6: {  	_ =	shalt  }

</sc_bundles>
